<compile_context>
chip_gen: v7x
topology: tpu7x:2x2x1
jax: 0.10.2.dev20260603
libtpu: 0.0.44.dev20260713+nightly
codegen_flags: <defaults>
</compile_context>

<pallas_src>
import jax
import jax.numpy as jnp
from jax import lax
from jax.experimental import pallas as pl
from jax.experimental.pallas import tpu as pltpu
from jax.experimental.pallas import tpu_sc as plsc

NUM_ROWS = 320000
D = 128
NUM_SEG = 10000
NUM_CORES = 2
NUM_SUBCORES = 16
CHUNK = 128
WINDOWS_PER_CORE = NUM_ROWS // (NUM_CORES * CHUNK)
ACC_ROWS = 10112
ZROWS = ACC_ROWS // NUM_SUBCORES
NRING = 3


def _phase1_body(
    x_hbm, batch_hbm, zeros_hbm, a0_hbm, a1_hbm,
    xbuf0, xbuf1, xbuf2, ibuf0, ibuf1, ibuf2, acc,
    semx0, semx1, semx2, semi0, semi1, semi2, sems0, sems1, sems2,
):
    c = lax.axis_index("c")
    s = lax.axis_index("s")
    xbufs = (xbuf0, xbuf1, xbuf2)
    ibufs = (ibuf0, ibuf1, ibuf2)
    semxs = (semx0, semx1, semx2)
    semis = (semi0, semi1, semi2)
    semss = (sems0, sems1, sems2)

    pltpu.sync_copy(zeros_hbm, xbuf0)
    for z in range(ZROWS // CHUNK):
        pltpu.sync_copy(xbuf0, acc.at[pl.ds(ZROWS * s + z * CHUNK, CHUNK)])
    rem = ZROWS % CHUNK
    if rem:
        pltpu.sync_copy(
            xbuf0.at[pl.ds(0, rem)],
            acc.at[pl.ds(ZROWS * s + ZROWS - rem, rem)],
        )
    plsc.subcore_barrier()

    num_windows = (WINDOWS_PER_CORE - s + NUM_SUBCORES - 1) // NUM_SUBCORES
    row0 = c * (WINDOWS_PER_CORE * CHUNK)

    def window_q(t):
        return pl.multiple_of(row0 + (s + t * NUM_SUBCORES) * CHUNK, 8)

    def issue_load(t, b):
        q = window_q(t)
        pltpu.async_copy(x_hbm.at[pl.ds(q, CHUNK)], xbufs[b], semxs[b])
        pltpu.async_copy(batch_hbm.at[pl.ds(q, CHUNK)], ibufs[b], semis[b])

    for b in range(NRING - 1):
        @pl.when(b < num_windows)
        def _():
            issue_load(b, b)

    def tri(g, carry):
        for b in range(NRING):
            t = NRING * g + b

            @pl.when(t < num_windows)
            def _():
                p = (b + NRING - 1) % NRING

                @pl.when(t >= 1)
                def _():
                    pltpu.make_async_copy(
                        xbufs[p], acc.at[ibufs[p]], semss[p]
                    ).wait()

                @pl.when(t + NRING - 1 < num_windows)
                def _():
                    issue_load(t + NRING - 1, p)

                q = window_q(t)
                pltpu.make_async_copy(
                    batch_hbm.at[pl.ds(q, CHUNK)], ibufs[b], semis[b]
                ).wait()
                pltpu.make_async_copy(
                    x_hbm.at[pl.ds(q, CHUNK)], xbufs[b], semxs[b]
                ).wait()
                pltpu.async_copy(
                    xbufs[b], acc.at[ibufs[b]], semss[b], add=True
                )

        return carry

    lax.fori_loop(0, (num_windows + NRING - 1) // NRING, tri, 0)

    for k in range(NRING):
        @pl.when((num_windows > 0) & ((num_windows - 1) % NRING == k))
        def _():
            pltpu.make_async_copy(xbufs[k], acc.at[ibufs[k]], semss[k]).wait()

    plsc.subcore_barrier()

    @pl.when(c == 0)
    def _():
        pltpu.sync_copy(
            acc.at[pl.ds(ZROWS * s, ZROWS)], a0_hbm.at[pl.ds(ZROWS * s, ZROWS)]
        )

    @pl.when(c == 1)
    def _():
        pltpu.sync_copy(
            acc.at[pl.ds(ZROWS * s, ZROWS)], a1_hbm.at[pl.ds(ZROWS * s, ZROWS)]
        )


def _add_body(a_ref, b_ref, o_ref):
    o_ref[...] = a_ref[...] + b_ref[...]


@jax.jit
def kernel(x, batch):
    batch = batch.astype(jnp.int32)
    zeros = jnp.zeros((CHUNK, D), jnp.float32)

    mesh = plsc.VectorSubcoreMesh(core_axis_name="c", subcore_axis_name="s")
    phase1 = pl.kernel(
        _phase1_body,
        mesh=mesh,
        out_type=(
            jax.ShapeDtypeStruct((ACC_ROWS, D), jnp.float32),
            jax.ShapeDtypeStruct((ACC_ROWS, D), jnp.float32),
        ),
        scratch_types=[
            pltpu.VMEM((CHUNK, D), jnp.float32),
            pltpu.VMEM((CHUNK, D), jnp.float32),
            pltpu.VMEM((CHUNK, D), jnp.float32),
            pltpu.VMEM((CHUNK,), jnp.int32),
            pltpu.VMEM((CHUNK,), jnp.int32),
            pltpu.VMEM((CHUNK,), jnp.int32),
            pltpu.VMEM_SHARED((ACC_ROWS, D), jnp.float32),
            pltpu.SemaphoreType.DMA,
            pltpu.SemaphoreType.DMA,
            pltpu.SemaphoreType.DMA,
            pltpu.SemaphoreType.DMA,
            pltpu.SemaphoreType.DMA,
            pltpu.SemaphoreType.DMA,
            pltpu.SemaphoreType.DMA,
            pltpu.SemaphoreType.DMA,
            pltpu.SemaphoreType.DMA,
        ],
    )
    a0, a1 = phase1(x, batch, zeros)

    blk = 2000
    out = pl.pallas_call(
        _add_body,
        grid=(NUM_SEG // blk,),
        in_specs=[
            pl.BlockSpec((blk, D), lambda i: (i, 0)),
            pl.BlockSpec((blk, D), lambda i: (i, 0)),
        ],
        out_specs=pl.BlockSpec((blk, D), lambda i: (i, 0)),
        out_shape=jax.ShapeDtypeStruct((NUM_SEG, D), jnp.float32),
    )(a0, a1)
    return out

# --- scband reference (transcript-rebuilt; emitter-appended) ---
"""Pipeline reference for scband-global-pooling-352187319205 (READ-ONLY COPY).

The authoritative reference and input builder live on the scoring server;
editing this copy changes nothing except your own understanding.
"""

import jax, jax.numpy as jnp
import numpy as np


def setup_inputs(seed: int = 0) -> dict:
    key = jax.random.key(seed)
    kx, kb = jax.random.split(key)
    x = jax.random.normal(kx, (320000, 128), dtype=jnp.float32)
    batch = jnp.sort(jax.random.randint(kb, (320000,), 0, 10000, dtype=jnp.int64))
    return {"x": x, "batch": batch}


def reference(x, batch):
    # GlobalPooling(method='sum'):
    #   ng = batch.max() + 1
    #   out = zeros(ng, d); out.scatter_add_(0, batch.expand, x)
    ng = 10000
    out = jax.ops.segment_sum(x, batch, num_segments=ng)
    return out

if __name__ == "__main__":
    import jax
    _d = setup_inputs()
    print(jax.jit(kernel)(*tuple(_d.values())))

</pallas_src>

<mosaic_0001>
#map = affine_map<(d0, d1) -> (0, 0)>
#map1 = affine_map<(d0, d1) -> (0)>
module attributes {stable_mosaic.version = 14 : i64} {
  func.func @_phase1_body(%arg0: i32, %arg1: i32, %arg2: memref<320000x128xf32, #tpu.memory_space<hbm>>, %arg3: memref<320000xi32, #tpu.memory_space<hbm>>, %arg4: memref<128x128xf32, #tpu.memory_space<hbm>>, %arg5: memref<10112x128xf32, #tpu.memory_space<hbm>>, %arg6: memref<10112x128xf32, #tpu.memory_space<hbm>>, %arg7: memref<128x128xf32, #tpu.memory_space<vmem>>, %arg8: memref<128x128xf32, #tpu.memory_space<vmem>>, %arg9: memref<128x128xf32, #tpu.memory_space<vmem>>, %arg10: memref<128xi32, #tpu.memory_space<vmem>>, %arg11: memref<128xi32, #tpu.memory_space<vmem>>, %arg12: memref<128xi32, #tpu.memory_space<vmem>>, %arg13: memref<10112x128xf32, #tpu.memory_space<vmem_shared>>, %arg14: memref<!tpu.dma_semaphore, #tpu.memory_space<semaphore_mem>>, %arg15: memref<!tpu.dma_semaphore, #tpu.memory_space<semaphore_mem>>, %arg16: memref<!tpu.dma_semaphore, #tpu.memory_space<semaphore_mem>>, %arg17: memref<!tpu.dma_semaphore, #tpu.memory_space<semaphore_mem>>, %arg18: memref<!tpu.dma_semaphore, #tpu.memory_space<semaphore_mem>>, %arg19: memref<!tpu.dma_semaphore, #tpu.memory_space<semaphore_mem>>, %arg20: memref<!tpu.dma_semaphore, #tpu.memory_space<semaphore_mem>>, %arg21: memref<!tpu.dma_semaphore, #tpu.memory_space<semaphore_mem>>, %arg22: memref<!tpu.dma_semaphore, #tpu.memory_space<semaphore_mem>>) attributes {dimension_semantics = [#tpu.dimension_semantics<core_parallel>, #tpu.dimension_semantics<subcore_parallel>], iteration_bounds = array<i64: 2, 16>, scalar_prefetch = 0 : i64, scratch_operands = 16 : i64, tpu.core_type = #tpu.core_type<sc_vector_subcore>, window_params = [{transform_indices = #map}, {transform_indices = #map1}, {transform_indices = #map}, {transform_indices = #map}, {transform_indices = #map}]} {
    "tpu.region"() ({
      %run_scoped3A = tpu.sem_alloc : memref<!tpu.dma_semaphore, #tpu.memory_space<semaphore_mem>>
      tpu.enqueue_dma source(%arg4 : memref<128x128xf32, #tpu.memory_space<hbm>>) target(%arg7 : memref<128x128xf32, #tpu.memory_space<vmem>>) target_semaphore(%run_scoped3A : memref<!tpu.dma_semaphore, #tpu.memory_space<semaphore_mem>>)
      tpu.wait_dma2 semaphore(%run_scoped3A : memref<!tpu.dma_semaphore, #tpu.memory_space<semaphore_mem>>) src(%arg4 : memref<128x128xf32, #tpu.memory_space<hbm>>) dst(%arg7 : memref<128x128xf32, #tpu.memory_space<vmem>>)
      tpu.yield
    }) : () -> ()
    %mul3A = arith.constant 632 : i32
    %mul3A_0 = arith.muli %mul3A, %arg1 : i32
    %add3A = arith.constant 0 : i32
    %add3A_1 = arith.addi %mul3A_0, %add3A : i32
    "tpu.region"() ({
      %run_scoped3A = tpu.sem_alloc : memref<!tpu.dma_semaphore, #tpu.memory_space<semaphore_mem>>
      %dma_start3A = arith.constant 0 : i32
      %dma_start3A_175 = tpu.memref_slice %arg13[%add3A_1, %dma_start3A] : memref<10112x128xf32, #tpu.memory_space<vmem_shared>> -> memref<128x128xf32, #tpu.memory_space<vmem_shared>>
      %dma_start3A_176 = arith.constant 0 : i32
      %dma_start3A_177 = tpu.memref_slice %arg13[%add3A_1, %dma_start3A_176] : memref<10112x128xf32, #tpu.memory_space<vmem_shared>> -> memref<128x128xf32, #tpu.memory_space<vmem_shared>>
      tpu.enqueue_dma source(%arg7 : memref<128x128xf32, #tpu.memory_space<vmem>>) target(%dma_start3A_177 : memref<128x128xf32, #tpu.memory_space<vmem_shared>>) target_semaphore(%run_scoped3A : memref<!tpu.dma_semaphore, #tpu.memory_space<semaphore_mem>>)
      %dma_wait3A = arith.constant 0 : i32
      %dma_wait3A_178 = tpu.memref_slice %arg13[%add3A_1, %dma_wait3A] : memref<10112x128xf32, #tpu.memory_space<vmem_shared>> -> memref<128x128xf32, #tpu.memory_space<vmem_shared>>
      %dma_wait3A_179 = arith.constant 0 : i32
      %dma_wait3A_180 = tpu.memref_slice %arg13[%add3A_1, %dma_wait3A_179] : memref<10112x128xf32, #tpu.memory_space<vmem_shared>> -> memref<128x128xf32, #tpu.memory_space<vmem_shared>>
      tpu.wait_dma2 semaphore(%run_scoped3A : memref<!tpu.dma_semaphore, #tpu.memory_space<semaphore_mem>>) src(%arg7 : memref<128x128xf32, #tpu.memory_space<vmem>>) dst(%dma_wait3A_180 : memref<128x128xf32, #tpu.memory_space<vmem_shared>>)
      tpu.yield
    }) : () -> ()
    %mul3A_2 = arith.constant 632 : i32
    %mul3A_3 = arith.muli %mul3A_2, %arg1 : i32
    %add3A_4 = arith.constant 128 : i32
    %add3A_5 = arith.addi %mul3A_3, %add3A_4 : i32
    "tpu.region"() ({
      %run_scoped3A = tpu.sem_alloc : memref<!tpu.dma_semaphore, #tpu.memory_space<semaphore_mem>>
      %dma_start3A = arith.constant 0 : i32
      %dma_start3A_175 = tpu.memref_slice %arg13[%add3A_5, %dma_start3A] : memref<10112x128xf32, #tpu.memory_space<vmem_shared>> -> memref<128x128xf32, #tpu.memory_space<vmem_shared>>
      %dma_start3A_176 = arith.constant 0 : i32
      %dma_start3A_177 = tpu.memref_slice %arg13[%add3A_5, %dma_start3A_176] : memref<10112x128xf32, #tpu.memory_space<vmem_shared>> -> memref<128x128xf32, #tpu.memory_space<vmem_shared>>
      tpu.enqueue_dma source(%arg7 : memref<128x128xf32, #tpu.memory_space<vmem>>) target(%dma_start3A_177 : memref<128x128xf32, #tpu.memory_space<vmem_shared>>) target_semaphore(%run_scoped3A : memref<!tpu.dma_semaphore, #tpu.memory_space<semaphore_mem>>)
      %dma_wait3A = arith.constant 0 : i32
      %dma_wait3A_178 = tpu.memref_slice %arg13[%add3A_5, %dma_wait3A] : memref<10112x128xf32, #tpu.memory_space<vmem_shared>> -> memref<128x128xf32, #tpu.memory_space<vmem_shared>>
      %dma_wait3A_179 = arith.constant 0 : i32
      %dma_wait3A_180 = tpu.memref_slice %arg13[%add3A_5, %dma_wait3A_179] : memref<10112x128xf32, #tpu.memory_space<vmem_shared>> -> memref<128x128xf32, #tpu.memory_space<vmem_shared>>
      tpu.wait_dma2 semaphore(%run_scoped3A : memref<!tpu.dma_semaphore, #tpu.memory_space<semaphore_mem>>) src(%arg7 : memref<128x128xf32, #tpu.memory_space<vmem>>) dst(%dma_wait3A_180 : memref<128x128xf32, #tpu.memory_space<vmem_shared>>)
      tpu.yield
    }) : () -> ()
    %mul3A_6 = arith.constant 632 : i32
    %mul3A_7 = arith.muli %mul3A_6, %arg1 : i32
    %add3A_8 = arith.constant 256 : i32
    %add3A_9 = arith.addi %mul3A_7, %add3A_8 : i32
    "tpu.region"() ({
      %run_scoped3A = tpu.sem_alloc : memref<!tpu.dma_semaphore, #tpu.memory_space<semaphore_mem>>
      %dma_start3A = arith.constant 0 : i32
      %dma_start3A_175 = tpu.memref_slice %arg13[%add3A_9, %dma_start3A] : memref<10112x128xf32, #tpu.memory_space<vmem_shared>> -> memref<128x128xf32, #tpu.memory_space<vmem_shared>>
      %dma_start3A_176 = arith.constant 0 : i32
      %dma_start3A_177 = tpu.memref_slice %arg13[%add3A_9, %dma_start3A_176] : memref<10112x128xf32, #tpu.memory_space<vmem_shared>> -> memref<128x128xf32, #tpu.memory_space<vmem_shared>>
      tpu.enqueue_dma source(%arg7 : memref<128x128xf32, #tpu.memory_space<vmem>>) target(%dma_start3A_177 : memref<128x128xf32, #tpu.memory_space<vmem_shared>>) target_semaphore(%run_scoped3A : memref<!tpu.dma_semaphore, #tpu.memory_space<semaphore_mem>>)
      %dma_wait3A = arith.constant 0 : i32
      %dma_wait3A_178 = tpu.memref_slice %arg13[%add3A_9, %dma_wait3A] : memref<10112x128xf32, #tpu.memory_space<vmem_shared>> -> memref<128x128xf32, #tpu.memory_space<vmem_shared>>
      %dma_wait3A_179 = arith.constant 0 : i32
      %dma_wait3A_180 = tpu.memref_slice %arg13[%add3A_9, %dma_wait3A_179] : memref<10112x128xf32, #tpu.memory_space<vmem_shared>> -> memref<128x128xf32, #tpu.memory_space<vmem_shared>>
      tpu.wait_dma2 semaphore(%run_scoped3A : memref<!tpu.dma_semaphore, #tpu.memory_space<semaphore_mem>>) src(%arg7 : memref<128x128xf32, #tpu.memory_space<vmem>>) dst(%dma_wait3A_180 : memref<128x128xf32, #tpu.memory_space<vmem_shared>>)
      tpu.yield
    }) : () -> ()
    %mul3A_10 = arith.constant 632 : i32
    %mul3A_11 = arith.muli %mul3A_10, %arg1 : i32
    %add3A_12 = arith.constant 384 : i32
    %add3A_13 = arith.addi %mul3A_11, %add3A_12 : i32
    "tpu.region"() ({
      %run_scoped3A = tpu.sem_alloc : memref<!tpu.dma_semaphore, #tpu.memory_space<semaphore_mem>>
      %dma_start3A = arith.constant 0 : i32
      %dma_start3A_175 = tpu.memref_slice %arg13[%add3A_13, %dma_start3A] : memref<10112x128xf32, #tpu.memory_space<vmem_shared>> -> memref<128x128xf32, #tpu.memory_space<vmem_shared>>
      %dma_start3A_176 = arith.constant 0 : i32
      %dma_start3A_177 = tpu.memref_slice %arg13[%add3A_13, %dma_start3A_176] : memref<10112x128xf32, #tpu.memory_space<vmem_shared>> -> memref<128x128xf32, #tpu.memory_space<vmem_shared>>
      tpu.enqueue_dma source(%arg7 : memref<128x128xf32, #tpu.memory_space<vmem>>) target(%dma_start3A_177 : memref<128x128xf32, #tpu.memory_space<vmem_shared>>) target_semaphore(%run_scoped3A : memref<!tpu.dma_semaphore, #tpu.memory_space<semaphore_mem>>)
      %dma_wait3A = arith.constant 0 : i32
      %dma_wait3A_178 = tpu.memref_slice %arg13[%add3A_13, %dma_wait3A] : memref<10112x128xf32, #tpu.memory_space<vmem_shared>> -> memref<128x128xf32, #tpu.memory_space<vmem_shared>>
      %dma_wait3A_179 = arith.constant 0 : i32
      %dma_wait3A_180 = tpu.memref_slice %arg13[%add3A_13, %dma_wait3A_179] : memref<10112x128xf32, #tpu.memory_space<vmem_shared>> -> memref<128x128xf32, #tpu.memory_space<vmem_shared>>
      tpu.wait_dma2 semaphore(%run_scoped3A : memref<!tpu.dma_semaphore, #tpu.memory_space<semaphore_mem>>) src(%arg7 : memref<128x128xf32, #tpu.memory_space<vmem>>) dst(%dma_wait3A_180 : memref<128x128xf32, #tpu.memory_space<vmem_shared>>)
      tpu.yield
    }) : () -> ()
    %mul3A_14 = arith.constant 632 : i32
    %mul3A_15 = arith.muli %mul3A_14, %arg1 : i32
    %add3A_16 = arith.constant 632 : i32
    %add3A_17 = arith.addi %mul3A_15, %add3A_16 : i32
    %sub3A = arith.constant 120 : i32
    %sub3A_18 = arith.subi %add3A_17, %sub3A : i32
    "tpu.region"() ({
      %run_scoped3A = tpu.sem_alloc : memref<!tpu.dma_semaphore, #tpu.memory_space<semaphore_mem>>
      %dma_start3A = arith.constant 0 : i32
      %dma_start3A_175 = arith.constant 0 : i32
      %dma_start3A_176 = tpu.memref_slice %arg7[%dma_start3A, %dma_start3A_175] : memref<128x128xf32, #tpu.memory_space<vmem>> -> memref<120x128xf32, #tpu.memory_space<vmem>>
      %dma_start3A_177 = arith.constant 0 : i32
      %dma_start3A_178 = tpu.memref_slice %arg13[%sub3A_18, %dma_start3A_177] : memref<10112x128xf32, #tpu.memory_space<vmem_shared>> -> memref<120x128xf32, #tpu.memory_space<vmem_shared>>
      %dma_start3A_179 = arith.constant 0 : i32
      %dma_start3A_180 = tpu.memref_slice %arg13[%sub3A_18, %dma_start3A_179] : memref<10112x128xf32, #tpu.memory_space<vmem_shared>> -> memref<120x128xf32, #tpu.memory_space<vmem_shared>>
      %dma_start3A_181 = arith.constant 0 : i32
      %dma_start3A_182 = arith.constant 0 : i32
      %dma_start3A_183 = tpu.memref_slice %arg7[%dma_start3A_181, %dma_start3A_182] : memref<128x128xf32, #tpu.memory_space<vmem>> -> memref<120x128xf32, #tpu.memory_space<vmem>>
      tpu.enqueue_dma source(%dma_start3A_183 : memref<120x128xf32, #tpu.memory_space<vmem>>) target(%dma_start3A_180 : memref<120x128xf32, #tpu.memory_space<vmem_shared>>) target_semaphore(%run_scoped3A : memref<!tpu.dma_semaphore, #tpu.memory_space<semaphore_mem>>)
      %dma_wait3A = arith.constant 0 : i32
      %dma_wait3A_184 = arith.constant 0 : i32
      %dma_wait3A_185 = tpu.memref_slice %arg7[%dma_wait3A, %dma_wait3A_184] : memref<128x128xf32, #tpu.memory_space<vmem>> -> memref<120x128xf32, #tpu.memory_space<vmem>>
      %dma_wait3A_186 = arith.constant 0 : i32
      %dma_wait3A_187 = tpu.memref_slice %arg13[%sub3A_18, %dma_wait3A_186] : memref<10112x128xf32, #tpu.memory_space<vmem_shared>> -> memref<120x128xf32, #tpu.memory_space<vmem_shared>>
      %dma_wait3A_188 = arith.constant 0 : i32
      %dma_wait3A_189 = tpu.memref_slice %arg13[%sub3A_18, %dma_wait3A_188] : memref<10112x128xf32, #tpu.memory_space<vmem_shared>> -> memref<120x128xf32, #tpu.memory_space<vmem_shared>>
      %dma_wait3A_190 = arith.constant 0 : i32
      %dma_wait3A_191 = arith.constant 0 : i32
      %dma_wait3A_192 = tpu.memref_slice %arg7[%dma_wait3A_190, %dma_wait3A_191] : memref<128x128xf32, #tpu.memory_space<vmem>> -> memref<120x128xf32, #tpu.memory_space<vmem>>
      tpu.wait_dma2 semaphore(%run_scoped3A : memref<!tpu.dma_semaphore, #tpu.memory_space<semaphore_mem>>) src(%dma_wait3A_192 : memref<120x128xf32, #tpu.memory_space<vmem>>) dst(%dma_wait3A_189 : memref<120x128xf32, #tpu.memory_space<vmem_shared>>)
      tpu.yield
    }) : () -> ()
    %barrier3A = arith.constant 0 : index
    tpu.barrier barrier_id(%barrier3A)
    %sub3A_19 = arith.constant 1250 : i32
    %sub3A_20 = arith.subi %sub3A_19, %arg1 : i32
    %add3A_21 = arith.constant 16 : i32
    %add3A_22 = arith.addi %sub3A_20, %add3A_21 : i32
    %sub3A_23 = arith.constant 1 : i32
    %sub3A_24 = arith.subi %add3A_22, %sub3A_23 : i32
    %jit3A = arith.constant 16 : i32
    %div3A = arith.divsi %sub3A_24, %jit3A : i32
    %sign3A = arith.constant 0 : i32
    %sign3A_25 = arith.cmpi sgt, %sub3A_24, %sign3A : i32
    %sign3A_26 = arith.extui %sign3A_25 : i1 to i32
    %sign3A_27 = arith.constant 0 : i32
    %sign3A_28 = arith.cmpi slt, %sub3A_24, %sign3A_27 : i32
    %sign3A_29 = arith.extui %sign3A_28 : i1 to i32
    %sign3A_30 = arith.subi %sign3A_26, %sign3A_29 : i32
    %sign3A_31 = arith.constant 0 : i32
    %sign3A_32 = arith.cmpi sgt, %jit3A, %sign3A_31 : i32
    %sign3A_33 = arith.extui %sign3A_32 : i1 to i32
    %sign3A_34 = arith.constant 0 : i32
    %sign3A_35 = arith.cmpi slt, %jit3A, %sign3A_34 : i32
    %sign3A_36 = arith.extui %sign3A_35 : i1 to i32
    %sign3A_37 = arith.subi %sign3A_33, %sign3A_36 : i32
    %ne3A = arith.cmpi ne, %sign3A_30, %sign3A_37 : i32
    %rem3A = arith.remsi %sub3A_24, %jit3A : i32
    %ne3A_38 = arith.constant 0 : i32
    %ne3A_39 = arith.cmpi ne, %rem3A, %ne3A_38 : i32
    %and3A = arith.andi %ne3A, %ne3A_39 : i1
    %sub3A_40 = arith.constant 1 : i32
    %sub3A_41 = arith.subi %div3A, %sub3A_40 : i32
    %select_n3A = arith.select %and3A, %sub3A_41, %div3A : i32
    %mul3A_42 = arith.constant 160000 : i32
    %mul3A_43 = arith.muli %arg0, %mul3A_42 : i32
    %gt3A = arith.constant 0 : i32
    %gt3A_44 = arith.cmpi sgt, %select_n3A, %gt3A : i32
    %convert_element_type3A = arith.extui %gt3A_44 : i1 to i32
    %cond3A = arith.constant 0 : i32
    %cond3A_45 = arith.cmpi ne, %convert_element_type3A, %cond3A : i32
    scf.if %cond3A_45 {
      %add3A_175 = arith.constant 0 : i32
      %add3A_176 = arith.addi %arg1, %add3A_175 : i32
      %mul3A_177 = arith.constant 128 : i32
      %mul3A_178 = arith.muli %add3A_176, %mul3A_177 : i32
      %add3A_179 = arith.addi %mul3A_43, %mul3A_178 : i32
      %multiple_of3A = tpu.assume_multiple %add3A_179, 8 : i32
      %dma_start3A = arith.constant 0 : i32
      %dma_start3A_180 = tpu.memref_slice %arg2[%multiple_of3A, %dma_start3A] : memref<320000x128xf32, #tpu.memory_space<hbm>> -> memref<128x128xf32, #tpu.memory_space<hbm>>
      %dma_start3A_181 = arith.constant 0 : i32
      %dma_start3A_182 = tpu.memref_slice %arg2[%multiple_of3A, %dma_start3A_181] : memref<320000x128xf32, #tpu.memory_space<hbm>> -> memref<128x128xf32, #tpu.memory_space<hbm>>
      tpu.enqueue_dma source(%dma_start3A_182 : memref<128x128xf32, #tpu.memory_space<hbm>>) target(%arg7 : memref<128x128xf32, #tpu.memory_space<vmem>>) target_semaphore(%arg14 : memref<!tpu.dma_semaphore, #tpu.memory_space<semaphore_mem>>)
      %dma_start3A_183 = tpu.memref_slice %arg3[%multiple_of3A] : memref<320000xi32, #tpu.memory_space<hbm>> -> memref<128xi32, #tpu.memory_space<hbm>>
      %dma_start3A_184 = tpu.memref_slice %arg3[%multiple_of3A] : memref<320000xi32, #tpu.memory_space<hbm>> -> memref<128xi32, #tpu.memory_space<hbm>>
      tpu.enqueue_dma source(%dma_start3A_184 : memref<128xi32, #tpu.memory_space<hbm>>) target(%arg10 : memref<128xi32, #tpu.memory_space<vmem>>) target_semaphore(%arg17 : memref<!tpu.dma_semaphore, #tpu.memory_space<semaphore_mem>>)
    } else {
    }
    %gt3A_46 = arith.constant 1 : i32
    %gt3A_47 = arith.cmpi sgt, %select_n3A, %gt3A_46 : i32
    %convert_element_type3A_48 = arith.extui %gt3A_47 : i1 to i32
    %cond3A_49 = arith.constant 0 : i32
    %cond3A_50 = arith.cmpi ne, %convert_element_type3A_48, %cond3A_49 : i32
    scf.if %cond3A_50 {
      %add3A_175 = arith.constant 16 : i32
      %add3A_176 = arith.addi %arg1, %add3A_175 : i32
      %mul3A_177 = arith.constant 128 : i32
      %mul3A_178 = arith.muli %add3A_176, %mul3A_177 : i32
      %add3A_179 = arith.addi %mul3A_43, %mul3A_178 : i32
      %multiple_of3A = tpu.assume_multiple %add3A_179, 8 : i32
      %dma_start3A = arith.constant 0 : i32
      %dma_start3A_180 = tpu.memref_slice %arg2[%multiple_of3A, %dma_start3A] : memref<320000x128xf32, #tpu.memory_space<hbm>> -> memref<128x128xf32, #tpu.memory_space<hbm>>
      %dma_start3A_181 = arith.constant 0 : i32
      %dma_start3A_182 = tpu.memref_slice %arg2[%multiple_of3A, %dma_start3A_181] : memref<320000x128xf32, #tpu.memory_space<hbm>> -> memref<128x128xf32, #tpu.memory_space<hbm>>
      tpu.enqueue_dma source(%dma_start3A_182 : memref<128x128xf32, #tpu.memory_space<hbm>>) target(%arg8 : memref<128x128xf32, #tpu.memory_space<vmem>>) target_semaphore(%arg15 : memref<!tpu.dma_semaphore, #tpu.memory_space<semaphore_mem>>)
      %dma_start3A_183 = tpu.memref_slice %arg3[%multiple_of3A] : memref<320000xi32, #tpu.memory_space<hbm>> -> memref<128xi32, #tpu.memory_space<hbm>>
      %dma_start3A_184 = tpu.memref_slice %arg3[%multiple_of3A] : memref<320000xi32, #tpu.memory_space<hbm>> -> memref<128xi32, #tpu.memory_space<hbm>>
      tpu.enqueue_dma source(%dma_start3A_184 : memref<128xi32, #tpu.memory_space<hbm>>) target(%arg11 : memref<128xi32, #tpu.memory_space<vmem>>) target_semaphore(%arg18 : memref<!tpu.dma_semaphore, #tpu.memory_space<semaphore_mem>>)
    } else {
    }
    %add3A_51 = arith.constant 3 : i32
    %add3A_52 = arith.addi %select_n3A, %add3A_51 : i32
    %sub3A_53 = arith.constant 1 : i32
    %sub3A_54 = arith.subi %add3A_52, %sub3A_53 : i32
    %jit3A_55 = arith.constant 3 : i32
    %div3A_56 = arith.divsi %sub3A_54, %jit3A_55 : i32
    %sign3A_57 = arith.constant 0 : i32
    %sign3A_58 = arith.cmpi sgt, %sub3A_54, %sign3A_57 : i32
    %sign3A_59 = arith.extui %sign3A_58 : i1 to i32
    %sign3A_60 = arith.constant 0 : i32
    %sign3A_61 = arith.cmpi slt, %sub3A_54, %sign3A_60 : i32
    %sign3A_62 = arith.extui %sign3A_61 : i1 to i32
    %sign3A_63 = arith.subi %sign3A_59, %sign3A_62 : i32
    %sign3A_64 = arith.constant 0 : i32
    %sign3A_65 = arith.cmpi sgt, %jit3A_55, %sign3A_64 : i32
    %sign3A_66 = arith.extui %sign3A_65 : i1 to i32
    %sign3A_67 = arith.constant 0 : i32
    %sign3A_68 = arith.cmpi slt, %jit3A_55, %sign3A_67 : i32
    %sign3A_69 = arith.extui %sign3A_68 : i1 to i32
    %sign3A_70 = arith.subi %sign3A_66, %sign3A_69 : i32
    %ne3A_71 = arith.cmpi ne, %sign3A_63, %sign3A_70 : i32
    %rem3A_72 = arith.remsi %sub3A_54, %jit3A_55 : i32
    %ne3A_73 = arith.constant 0 : i32
    %ne3A_74 = arith.cmpi ne, %rem3A_72, %ne3A_73 : i32
    %and3A_75 = arith.andi %ne3A_71, %ne3A_74 : i1
    %sub3A_76 = arith.constant 1 : i32
    %sub3A_77 = arith.subi %div3A_56, %sub3A_76 : i32
    %select_n3A_78 = arith.select %and3A_75, %sub3A_77, %div3A_56 : i32
    %while3A = arith.constant 0 : i32
    %while3A_79 = arith.constant 0 : i32
    %while3A_80 = arith.subi %select_n3A_78, %while3A_79 : i32
    %while3A_81 = arith.addi %while3A_79, %while3A_80 : i32
    %while3A_82 = arith.constant 1 : i32
    %while3A_83 = arith.divsi %while3A_80, %while3A_82 : i32
    %while3A_84 = arith.muli %while3A_83, %while3A_82 : i32
    %while3A_85 = arith.addi %while3A_79, %while3A_84 : i32
    %while3A_86 = arith.constant 1 : i32
    scf.for %while3A_175 = %while3A_79 to %while3A_85 step %while3A_86  : i32 {
      %mul3A_176 = arith.constant 3 : i32
      %mul3A_177 = arith.muli %mul3A_176, %while3A_175 : i32
      %add3A_178 = arith.constant 0 : i32
      %add3A_179 = arith.addi %mul3A_177, %add3A_178 : i32
      %lt3A_180 = arith.cmpi slt, %add3A_179, %select_n3A : i32
      %convert_element_type3A_181 = arith.extui %lt3A_180 : i1 to i32
      %cond3A_182 = arith.constant 0 : i32
      %cond3A_183 = arith.cmpi ne, %convert_element_type3A_181, %cond3A_182 : i32
      scf.if %cond3A_183 {
        %ge3A = arith.constant 1 : i32
        %ge3A_200 = arith.cmpi sge, %add3A_179, %ge3A : i32
        %convert_element_type3A_201 = arith.extui %ge3A_200 : i1 to i32
        %cond3A_202 = arith.constant 0 : i32
        %cond3A_203 = arith.cmpi ne, %convert_element_type3A_201, %cond3A_202 : i32
        scf.if %cond3A_203 {
          %dma_wait3A_225 = arith.constant 0 : i32
          %dma_wait3A_226 = arith.constant 0 : i32
          %dma_wait3A_227 = tpu.memref_slice %arg13[%dma_wait3A_225, %dma_wait3A_226] : memref<10112x128xf32, #tpu.memory_space<vmem_shared>> -> memref<10112x128xf32, #tpu.memory_space<vmem_shared>>
          tpu.wait_indirect_dma semaphore(%arg22 : memref<!tpu.dma_semaphore, #tpu.memory_space<semaphore_mem>>) src(%arg9 : memref<128x128xf32, #tpu.memory_space<vmem>>) dst(%dma_wait3A_227 : memref<10112x128xf32, #tpu.memory_space<vmem_shared>>)
        } else {
        }
        %add3A_204 = arith.constant 3 : i32
        %add3A_205 = arith.addi %add3A_179, %add3A_204 : i32
        %sub3A_206 = arith.constant 1 : i32
        %sub3A_207 = arith.subi %add3A_205, %sub3A_206 : i32
        %lt3A_208 = arith.cmpi slt, %sub3A_207, %select_n3A : i32
        %convert_element_type3A_209 = arith.extui %lt3A_208 : i1 to i32
        %cond3A_210 = arith.constant 0 : i32
        %cond3A_211 = arith.cmpi ne, %convert_element_type3A_209, %cond3A_210 : i32
        scf.if %cond3A_211 {
          %add3A_225 = arith.constant 3 : i32
          %add3A_226 = arith.addi %add3A_179, %add3A_225 : i32
          %sub3A_227 = arith.constant 1 : i32
          %sub3A_228 = arith.subi %add3A_226, %sub3A_227 : i32
          %mul3A_229 = arith.constant 16 : i32
          %mul3A_230 = arith.muli %sub3A_228, %mul3A_229 : i32
          %add3A_231 = arith.addi %arg1, %mul3A_230 : i32
          %mul3A_232 = arith.constant 128 : i32
          %mul3A_233 = arith.muli %add3A_231, %mul3A_232 : i32
          %add3A_234 = arith.addi %mul3A_43, %mul3A_233 : i32
          %multiple_of3A_235 = tpu.assume_multiple %add3A_234, 8 : i32
          %dma_start3A_236 = arith.constant 0 : i32
          %dma_start3A_237 = tpu.memref_slice %arg2[%multiple_of3A_235, %dma_start3A_236] : memref<320000x128xf32, #tpu.memory_space<hbm>> -> memref<128x128xf32, #tpu.memory_space<hbm>>
          %dma_start3A_238 = arith.constant 0 : i32
          %dma_start3A_239 = tpu.memref_slice %arg2[%multiple_of3A_235, %dma_start3A_238] : memref<320000x128xf32, #tpu.memory_space<hbm>> -> memref<128x128xf32, #tpu.memory_space<hbm>>
          tpu.enqueue_dma source(%dma_start3A_239 : memref<128x128xf32, #tpu.memory_space<hbm>>) target(%arg9 : memref<128x128xf32, #tpu.memory_space<vmem>>) target_semaphore(%arg16 : memref<!tpu.dma_semaphore, #tpu.memory_space<semaphore_mem>>)
          %dma_start3A_240 = tpu.memref_slice %arg3[%multiple_of3A_235] : memref<320000xi32, #tpu.memory_space<hbm>> -> memref<128xi32, #tpu.memory_space<hbm>>
          %dma_start3A_241 = tpu.memref_slice %arg3[%multiple_of3A_235] : memref<320000xi32, #tpu.memory_space<hbm>> -> memref<128xi32, #tpu.memory_space<hbm>>
          tpu.enqueue_dma source(%dma_start3A_241 : memref<128xi32, #tpu.memory_space<hbm>>) target(%arg12 : memref<128xi32, #tpu.memory_space<vmem>>) target_semaphore(%arg19 : memref<!tpu.dma_semaphore, #tpu.memory_space<semaphore_mem>>)
        } else {
        }
        %mul3A_212 = arith.constant 16 : i32
        %mul3A_213 = arith.muli %add3A_179, %mul3A_212 : i32
        %add3A_214 = arith.addi %arg1, %mul3A_213 : i32
        %mul3A_215 = arith.constant 128 : i32
        %mul3A_216 = arith.muli %add3A_214, %mul3A_215 : i32
        %add3A_217 = arith.addi %mul3A_43, %mul3A_216 : i32
        %multiple_of3A = tpu.assume_multiple %add3A_217, 8 : i32
        %dma_wait3A = tpu.memref_slice %arg3[%multiple_of3A] : memref<320000xi32, #tpu.memory_space<hbm>> -> memref<128xi32, #tpu.memory_space<hbm>>
        %dma_wait3A_218 = tpu.memref_slice %arg3[%multiple_of3A] : memref<320000xi32, #tpu.memory_space<hbm>> -> memref<128xi32, #tpu.memory_space<hbm>>
        tpu.wait_dma2 semaphore(%arg17 : memref<!tpu.dma_semaphore, #tpu.memory_space<semaphore_mem>>) src(%dma_wait3A_218 : memref<128xi32, #tpu.memory_space<hbm>>) dst(%arg10 : memref<128xi32, #tpu.memory_space<vmem>>)
        %dma_wait3A_219 = arith.constant 0 : i32
        %dma_wait3A_220 = tpu.memref_slice %arg2[%multiple_of3A, %dma_wait3A_219] : memref<320000x128xf32, #tpu.memory_space<hbm>> -> memref<128x128xf32, #tpu.memory_space<hbm>>
        %dma_wait3A_221 = arith.constant 0 : i32
        %dma_wait3A_222 = tpu.memref_slice %arg2[%multiple_of3A, %dma_wait3A_221] : memref<320000x128xf32, #tpu.memory_space<hbm>> -> memref<128x128xf32, #tpu.memory_space<hbm>>
        tpu.wait_dma2 semaphore(%arg14 : memref<!tpu.dma_semaphore, #tpu.memory_space<semaphore_mem>>) src(%dma_wait3A_222 : memref<128x128xf32, #tpu.memory_space<hbm>>) dst(%arg7 : memref<128x128xf32, #tpu.memory_space<vmem>>)
        %dma_start3A = arith.constant 0 : i32
        %dma_start3A_223 = arith.constant 0 : i32
        %dma_start3A_224 = tpu.memref_slice %arg13[%dma_start3A, %dma_start3A_223] : memref<10112x128xf32, #tpu.memory_space<vmem_shared>> -> memref<10112x128xf32, #tpu.memory_space<vmem_shared>>
        tpu.enqueue_indirect_dma source(%arg7 : memref<128x128xf32, #tpu.memory_space<vmem>>) target(%dma_start3A_224 : memref<10112x128xf32, #tpu.memory_space<vmem_shared>>) offsets(%arg10 : memref<128xi32, #tpu.memory_space<vmem>>) semaphore(%arg20 : memref<!tpu.dma_semaphore, #tpu.memory_space<semaphore_mem>>) {add = true}
      } else {
      }
      %mul3A_184 = arith.constant 3 : i32
      %mul3A_185 = arith.muli %mul3A_184, %while3A_175 : i32
      %add3A_186 = arith.constant 1 : i32
      %add3A_187 = arith.addi %mul3A_185, %add3A_186 : i32
      %lt3A_188 = arith.cmpi slt, %add3A_187, %select_n3A : i32
      %convert_element_type3A_189 = arith.extui %lt3A_188 : i1 to i32
      %cond3A_190 = arith.constant 0 : i32
      %cond3A_191 = arith.cmpi ne, %convert_element_type3A_189, %cond3A_190 : i32
      scf.if %cond3A_191 {
        %ge3A = arith.constant 1 : i32
        %ge3A_200 = arith.cmpi sge, %add3A_187, %ge3A : i32
        %convert_element_type3A_201 = arith.extui %ge3A_200 : i1 to i32
        %cond3A_202 = arith.constant 0 : i32
        %cond3A_203 = arith.cmpi ne, %convert_element_type3A_201, %cond3A_202 : i32
        scf.if %cond3A_203 {
          %dma_wait3A_225 = arith.constant 0 : i32
          %dma_wait3A_226 = arith.constant 0 : i32
          %dma_wait3A_227 = tpu.memref_slice %arg13[%dma_wait3A_225, %dma_wait3A_226] : memref<10112x128xf32, #tpu.memory_space<vmem_shared>> -> memref<10112x128xf32, #tpu.memory_space<vmem_shared>>
          tpu.wait_indirect_dma semaphore(%arg20 : memref<!tpu.dma_semaphore, #tpu.memory_space<semaphore_mem>>) src(%arg7 : memref<128x128xf32, #tpu.memory_space<vmem>>) dst(%dma_wait3A_227 : memref<10112x128xf32, #tpu.memory_space<vmem_shared>>)
        } else {
        }
        %add3A_204 = arith.constant 3 : i32
        %add3A_205 = arith.addi %add3A_187, %add3A_204 : i32
        %sub3A_206 = arith.constant 1 : i32
        %sub3A_207 = arith.subi %add3A_205, %sub3A_206 : i32
        %lt3A_208 = arith.cmpi slt, %sub3A_207, %select_n3A : i32
        %convert_element_type3A_209 = arith.extui %lt3A_208 : i1 to i32
        %cond3A_210 = arith.constant 0 : i32
        %cond3A_211 = arith.cmpi ne, %convert_element_type3A_209, %cond3A_210 : i32
        scf.if %cond3A_211 {
          %add3A_225 = arith.constant 3 : i32
          %add3A_226 = arith.addi %add3A_187, %add3A_225 : i32
          %sub3A_227 = arith.constant 1 : i32
          %sub3A_228 = arith.subi %add3A_226, %sub3A_227 : i32
          %mul3A_229 = arith.constant 16 : i32
          %mul3A_230 = arith.muli %sub3A_228, %mul3A_229 : i32
          %add3A_231 = arith.addi %arg1, %mul3A_230 : i32
          %mul3A_232 = arith.constant 128 : i32
          %mul3A_233 = arith.muli %add3A_231, %mul3A_232 : i32
          %add3A_234 = arith.addi %mul3A_43, %mul3A_233 : i32
          %multiple_of3A_235 = tpu.assume_multiple %add3A_234, 8 : i32
          %dma_start3A_236 = arith.constant 0 : i32
          %dma_start3A_237 = tpu.memref_slice %arg2[%multiple_of3A_235, %dma_start3A_236] : memref<320000x128xf32, #tpu.memory_space<hbm>> -> memref<128x128xf32, #tpu.memory_space<hbm>>
          %dma_start3A_238 = arith.constant 0 : i32
          %dma_start3A_239 = tpu.memref_slice %arg2[%multiple_of3A_235, %dma_start3A_238] : memref<320000x128xf32, #tpu.memory_space<hbm>> -> memref<128x128xf32, #tpu.memory_space<hbm>>
          tpu.enqueue_dma source(%dma_start3A_239 : memref<128x128xf32, #tpu.memory_space<hbm>>) target(%arg7 : memref<128x128xf32, #tpu.memory_space<vmem>>) target_semaphore(%arg14 : memref<!tpu.dma_semaphore, #tpu.memory_space<semaphore_mem>>)
          %dma_start3A_240 = tpu.memref_slice %arg3[%multiple_of3A_235] : memref<320000xi32, #tpu.memory_space<hbm>> -> memref<128xi32, #tpu.memory_space<hbm>>
          %dma_start3A_241 = tpu.memref_slice %arg3[%multiple_of3A_235] : memref<320000xi32, #tpu.memory_space<hbm>> -> memref<128xi32, #tpu.memory_space<hbm>>
          tpu.enqueue_dma source(%dma_start3A_241 : memref<128xi32, #tpu.memory_space<hbm>>) target(%arg10 : memref<128xi32, #tpu.memory_space<vmem>>) target_semaphore(%arg17 : memref<!tpu.dma_semaphore, #tpu.memory_space<semaphore_mem>>)
        } else {
        }
        %mul3A_212 = arith.constant 16 : i32
        %mul3A_213 = arith.muli %add3A_187, %mul3A_212 : i32
        %add3A_214 = arith.addi %arg1, %mul3A_213 : i32
        %mul3A_215 = arith.constant 128 : i32
        %mul3A_216 = arith.muli %add3A_214, %mul3A_215 : i32
        %add3A_217 = arith.addi %mul3A_43, %mul3A_216 : i32
        %multiple_of3A = tpu.assume_multiple %add3A_217, 8 : i32
        %dma_wait3A = tpu.memref_slice %arg3[%multiple_of3A] : memref<320000xi32, #tpu.memory_space<hbm>> -> memref<128xi32, #tpu.memory_space<hbm>>
        %dma_wait3A_218 = tpu.memref_slice %arg3[%multiple_of3A] : memref<320000xi32, #tpu.memory_space<hbm>> -> memref<128xi32, #tpu.memory_space<hbm>>
        tpu.wait_dma2 semaphore(%arg18 : memref<!tpu.dma_semaphore, #tpu.memory_space<semaphore_mem>>) src(%dma_wait3A_218 : memref<128xi32, #tpu.memory_space<hbm>>) dst(%arg11 : memref<128xi32, #tpu.memory_space<vmem>>)
        %dma_wait3A_219 = arith.constant 0 : i32
        %dma_wait3A_220 = tpu.memref_slice %arg2[%multiple_of3A, %dma_wait3A_219] : memref<320000x128xf32, #tpu.memory_space<hbm>> -> memref<128x128xf32, #tpu.memory_space<hbm>>
        %dma_wait3A_221 = arith.constant 0 : i32
        %dma_wait3A_222 = tpu.memref_slice %arg2[%multiple_of3A, %dma_wait3A_221] : memref<320000x128xf32, #tpu.memory_space<hbm>> -> memref<128x128xf32, #tpu.memory_space<hbm>>
        tpu.wait_dma2 semaphore(%arg15 : memref<!tpu.dma_semaphore, #tpu.memory_space<semaphore_mem>>) src(%dma_wait3A_222 : memref<128x128xf32, #tpu.memory_space<hbm>>) dst(%arg8 : memref<128x128xf32, #tpu.memory_space<vmem>>)
        %dma_start3A = arith.constant 0 : i32
        %dma_start3A_223 = arith.constant 0 : i32
        %dma_start3A_224 = tpu.memref_slice %arg13[%dma_start3A, %dma_start3A_223] : memref<10112x128xf32, #tpu.memory_space<vmem_shared>> -> memref<10112x128xf32, #tpu.memory_space<vmem_shared>>
        tpu.enqueue_indirect_dma source(%arg8 : memref<128x128xf32, #tpu.memory_space<vmem>>) target(%dma_start3A_224 : memref<10112x128xf32, #tpu.memory_space<vmem_shared>>) offsets(%arg11 : memref<128xi32, #tpu.memory_space<vmem>>) semaphore(%arg21 : memref<!tpu.dma_semaphore, #tpu.memory_space<semaphore_mem>>) {add = true}
      } else {
      }
      %mul3A_192 = arith.constant 3 : i32
      %mul3A_193 = arith.muli %mul3A_192, %while3A_175 : i32
      %add3A_194 = arith.constant 2 : i32
      %add3A_195 = arith.addi %mul3A_193, %add3A_194 : i32
      %lt3A_196 = arith.cmpi slt, %add3A_195, %select_n3A : i32
      %convert_element_type3A_197 = arith.extui %lt3A_196 : i1 to i32
      %cond3A_198 = arith.constant 0 : i32
      %cond3A_199 = arith.cmpi ne, %convert_element_type3A_197, %cond3A_198 : i32
      scf.if %cond3A_199 {
        %ge3A = arith.constant 1 : i32
        %ge3A_200 = arith.cmpi sge, %add3A_195, %ge3A : i32
        %convert_element_type3A_201 = arith.extui %ge3A_200 : i1 to i32
        %cond3A_202 = arith.constant 0 : i32
        %cond3A_203 = arith.cmpi ne, %convert_element_type3A_201, %cond3A_202 : i32
        scf.if %cond3A_203 {
          %dma_wait3A_225 = arith.constant 0 : i32
          %dma_wait3A_226 = arith.constant 0 : i32
          %dma_wait3A_227 = tpu.memref_slice %arg13[%dma_wait3A_225, %dma_wait3A_226] : memref<10112x128xf32, #tpu.memory_space<vmem_shared>> -> memref<10112x128xf32, #tpu.memory_space<vmem_shared>>
          tpu.wait_indirect_dma semaphore(%arg21 : memref<!tpu.dma_semaphore, #tpu.memory_space<semaphore_mem>>) src(%arg8 : memref<128x128xf32, #tpu.memory_space<vmem>>) dst(%dma_wait3A_227 : memref<10112x128xf32, #tpu.memory_space<vmem_shared>>)
        } else {
        }
        %add3A_204 = arith.constant 3 : i32
        %add3A_205 = arith.addi %add3A_195, %add3A_204 : i32
        %sub3A_206 = arith.constant 1 : i32
        %sub3A_207 = arith.subi %add3A_205, %sub3A_206 : i32
        %lt3A_208 = arith.cmpi slt, %sub3A_207, %select_n3A : i32
        %convert_element_type3A_209 = arith.extui %lt3A_208 : i1 to i32
        %cond3A_210 = arith.constant 0 : i32
        %cond3A_211 = arith.cmpi ne, %convert_element_type3A_209, %cond3A_210 : i32
        scf.if %cond3A_211 {
          %add3A_225 = arith.constant 3 : i32
          %add3A_226 = arith.addi %add3A_195, %add3A_225 : i32
          %sub3A_227 = arith.constant 1 : i32
          %sub3A_228 = arith.subi %add3A_226, %sub3A_227 : i32
          %mul3A_229 = arith.constant 16 : i32
          %mul3A_230 = arith.muli %sub3A_228, %mul3A_229 : i32
          %add3A_231 = arith.addi %arg1, %mul3A_230 : i32
          %mul3A_232 = arith.constant 128 : i32
          %mul3A_233 = arith.muli %add3A_231, %mul3A_232 : i32
          %add3A_234 = arith.addi %mul3A_43, %mul3A_233 : i32
          %multiple_of3A_235 = tpu.assume_multiple %add3A_234, 8 : i32
          %dma_start3A_236 = arith.constant 0 : i32
          %dma_start3A_237 = tpu.memref_slice %arg2[%multiple_of3A_235, %dma_start3A_236] : memref<320000x128xf32, #tpu.memory_space<hbm>> -> memref<128x128xf32, #tpu.memory_space<hbm>>
          %dma_start3A_238 = arith.constant 0 : i32
          %dma_start3A_239 = tpu.memref_slice %arg2[%multiple_of3A_235, %dma_start3A_238] : memref<320000x128xf32, #tpu.memory_space<hbm>> -> memref<128x128xf32, #tpu.memory_space<hbm>>
          tpu.enqueue_dma source(%dma_start3A_239 : memref<128x128xf32, #tpu.memory_space<hbm>>) target(%arg8 : memref<128x128xf32, #tpu.memory_space<vmem>>) target_semaphore(%arg15 : memref<!tpu.dma_semaphore, #tpu.memory_space<semaphore_mem>>)
          %dma_start3A_240 = tpu.memref_slice %arg3[%multiple_of3A_235] : memref<320000xi32, #tpu.memory_space<hbm>> -> memref<128xi32, #tpu.memory_space<hbm>>
          %dma_start3A_241 = tpu.memref_slice %arg3[%multiple_of3A_235] : memref<320000xi32, #tpu.memory_space<hbm>> -> memref<128xi32, #tpu.memory_space<hbm>>
          tpu.enqueue_dma source(%dma_start3A_241 : memref<128xi32, #tpu.memory_space<hbm>>) target(%arg11 : memref<128xi32, #tpu.memory_space<vmem>>) target_semaphore(%arg18 : memref<!tpu.dma_semaphore, #tpu.memory_space<semaphore_mem>>)
        } else {
        }
        %mul3A_212 = arith.constant 16 : i32
        %mul3A_213 = arith.muli %add3A_195, %mul3A_212 : i32
        %add3A_214 = arith.addi %arg1, %mul3A_213 : i32
        %mul3A_215 = arith.constant 128 : i32
        %mul3A_216 = arith.muli %add3A_214, %mul3A_215 : i32
        %add3A_217 = arith.addi %mul3A_43, %mul3A_216 : i32
        %multiple_of3A = tpu.assume_multiple %add3A_217, 8 : i32
        %dma_wait3A = tpu.memref_slice %arg3[%multiple_of3A] : memref<320000xi32, #tpu.memory_space<hbm>> -> memref<128xi32, #tpu.memory_space<hbm>>
        %dma_wait3A_218 = tpu.memref_slice %arg3[%multiple_of3A] : memref<320000xi32, #tpu.memory_space<hbm>> -> memref<128xi32, #tpu.memory_space<hbm>>
        tpu.wait_dma2 semaphore(%arg19 : memref<!tpu.dma_semaphore, #tpu.memory_space<semaphore_mem>>) src(%dma_wait3A_218 : memref<128xi32, #tpu.memory_space<hbm>>) dst(%arg12 : memref<128xi32, #tpu.memory_space<vmem>>)
        %dma_wait3A_219 = arith.constant 0 : i32
        %dma_wait3A_220 = tpu.memref_slice %arg2[%multiple_of3A, %dma_wait3A_219] : memref<320000x128xf32, #tpu.memory_space<hbm>> -> memref<128x128xf32, #tpu.memory_space<hbm>>
        %dma_wait3A_221 = arith.constant 0 : i32
        %dma_wait3A_222 = tpu.memref_slice %arg2[%multiple_of3A, %dma_wait3A_221] : memref<320000x128xf32, #tpu.memory_space<hbm>> -> memref<128x128xf32, #tpu.memory_space<hbm>>
        tpu.wait_dma2 semaphore(%arg16 : memref<!tpu.dma_semaphore, #tpu.memory_space<semaphore_mem>>) src(%dma_wait3A_222 : memref<128x128xf32, #tpu.memory_space<hbm>>) dst(%arg9 : memref<128x128xf32, #tpu.memory_space<vmem>>)
        %dma_start3A = arith.constant 0 : i32
        %dma_start3A_223 = arith.constant 0 : i32
        %dma_start3A_224 = tpu.memref_slice %arg13[%dma_start3A, %dma_start3A_223] : memref<10112x128xf32, #tpu.memory_space<vmem_shared>> -> memref<10112x128xf32, #tpu.memory_space<vmem_shared>>
        tpu.enqueue_indirect_dma source(%arg9 : memref<128x128xf32, #tpu.memory_space<vmem>>) target(%dma_start3A_224 : memref<10112x128xf32, #tpu.memory_space<vmem_shared>>) offsets(%arg12 : memref<128xi32, #tpu.memory_space<vmem>>) semaphore(%arg22 : memref<!tpu.dma_semaphore, #tpu.memory_space<semaphore_mem>>) {add = true}
      } else {
      }
    }
    %while3A_87 = arith.constant 1 : i32
    scf.for %while3A_175 = %while3A_85 to %while3A_81 step %while3A_87  : i32 {
      %mul3A_176 = arith.constant 3 : i32
      %mul3A_177 = arith.muli %mul3A_176, %while3A_175 : i32
      %add3A_178 = arith.constant 0 : i32
      %add3A_179 = arith.addi %mul3A_177, %add3A_178 : i32
      %lt3A_180 = arith.cmpi slt, %add3A_179, %select_n3A : i32
      %convert_element_type3A_181 = arith.extui %lt3A_180 : i1 to i32
      %cond3A_182 = arith.constant 0 : i32
      %cond3A_183 = arith.cmpi ne, %convert_element_type3A_181, %cond3A_182 : i32
      scf.if %cond3A_183 {
        %ge3A = arith.constant 1 : i32
        %ge3A_200 = arith.cmpi sge, %add3A_179, %ge3A : i32
        %convert_element_type3A_201 = arith.extui %ge3A_200 : i1 to i32
        %cond3A_202 = arith.constant 0 : i32
        %cond3A_203 = arith.cmpi ne, %convert_element_type3A_201, %cond3A_202 : i32
        scf.if %cond3A_203 {
          %dma_wait3A_225 = arith.constant 0 : i32
          %dma_wait3A_226 = arith.constant 0 : i32
          %dma_wait3A_227 = tpu.memref_slice %arg13[%dma_wait3A_225, %dma_wait3A_226] : memref<10112x128xf32, #tpu.memory_space<vmem_shared>> -> memref<10112x128xf32, #tpu.memory_space<vmem_shared>>
          tpu.wait_indirect_dma semaphore(%arg22 : memref<!tpu.dma_semaphore, #tpu.memory_space<semaphore_mem>>) src(%arg9 : memref<128x128xf32, #tpu.memory_space<vmem>>) dst(%dma_wait3A_227 : memref<10112x128xf32, #tpu.memory_space<vmem_shared>>)
        } else {
        }
        %add3A_204 = arith.constant 3 : i32
        %add3A_205 = arith.addi %add3A_179, %add3A_204 : i32
        %sub3A_206 = arith.constant 1 : i32
        %sub3A_207 = arith.subi %add3A_205, %sub3A_206 : i32
        %lt3A_208 = arith.cmpi slt, %sub3A_207, %select_n3A : i32
        %convert_element_type3A_209 = arith.extui %lt3A_208 : i1 to i32
        %cond3A_210 = arith.constant 0 : i32
        %cond3A_211 = arith.cmpi ne, %convert_element_type3A_209, %cond3A_210 : i32
        scf.if %cond3A_211 {
          %add3A_225 = arith.constant 3 : i32
          %add3A_226 = arith.addi %add3A_179, %add3A_225 : i32
          %sub3A_227 = arith.constant 1 : i32
          %sub3A_228 = arith.subi %add3A_226, %sub3A_227 : i32
          %mul3A_229 = arith.constant 16 : i32
          %mul3A_230 = arith.muli %sub3A_228, %mul3A_229 : i32
          %add3A_231 = arith.addi %arg1, %mul3A_230 : i32
          %mul3A_232 = arith.constant 128 : i32
          %mul3A_233 = arith.muli %add3A_231, %mul3A_232 : i32
          %add3A_234 = arith.addi %mul3A_43, %mul3A_233 : i32
          %multiple_of3A_235 = tpu.assume_multiple %add3A_234, 8 : i32
          %dma_start3A_236 = arith.constant 0 : i32
          %dma_start3A_237 = tpu.memref_slice %arg2[%multiple_of3A_235, %dma_start3A_236] : memref<320000x128xf32, #tpu.memory_space<hbm>> -> memref<128x128xf32, #tpu.memory_space<hbm>>
          %dma_start3A_238 = arith.constant 0 : i32
          %dma_start3A_239 = tpu.memref_slice %arg2[%multiple_of3A_235, %dma_start3A_238] : memref<320000x128xf32, #tpu.memory_space<hbm>> -> memref<128x128xf32, #tpu.memory_space<hbm>>
          tpu.enqueue_dma source(%dma_start3A_239 : memref<128x128xf32, #tpu.memory_space<hbm>>) target(%arg9 : memref<128x128xf32, #tpu.memory_space<vmem>>) target_semaphore(%arg16 : memref<!tpu.dma_semaphore, #tpu.memory_space<semaphore_mem>>)
          %dma_start3A_240 = tpu.memref_slice %arg3[%multiple_of3A_235] : memref<320000xi32, #tpu.memory_space<hbm>> -> memref<128xi32, #tpu.memory_space<hbm>>
          %dma_start3A_241 = tpu.memref_slice %arg3[%multiple_of3A_235] : memref<320000xi32, #tpu.memory_space<hbm>> -> memref<128xi32, #tpu.memory_space<hbm>>
          tpu.enqueue_dma source(%dma_start3A_241 : memref<128xi32, #tpu.memory_space<hbm>>) target(%arg12 : memref<128xi32, #tpu.memory_space<vmem>>) target_semaphore(%arg19 : memref<!tpu.dma_semaphore, #tpu.memory_space<semaphore_mem>>)
        } else {
        }
        %mul3A_212 = arith.constant 16 : i32
        %mul3A_213 = arith.muli %add3A_179, %mul3A_212 : i32
        %add3A_214 = arith.addi %arg1, %mul3A_213 : i32
        %mul3A_215 = arith.constant 128 : i32
        %mul3A_216 = arith.muli %add3A_214, %mul3A_215 : i32
        %add3A_217 = arith.addi %mul3A_43, %mul3A_216 : i32
        %multiple_of3A = tpu.assume_multiple %add3A_217, 8 : i32
        %dma_wait3A = tpu.memref_slice %arg3[%multiple_of3A] : memref<320000xi32, #tpu.memory_space<hbm>> -> memref<128xi32, #tpu.memory_space<hbm>>
        %dma_wait3A_218 = tpu.memref_slice %arg3[%multiple_of3A] : memref<320000xi32, #tpu.memory_space<hbm>> -> memref<128xi32, #tpu.memory_space<hbm>>
        tpu.wait_dma2 semaphore(%arg17 : memref<!tpu.dma_semaphore, #tpu.memory_space<semaphore_mem>>) src(%dma_wait3A_218 : memref<128xi32, #tpu.memory_space<hbm>>) dst(%arg10 : memref<128xi32, #tpu.memory_space<vmem>>)
        %dma_wait3A_219 = arith.constant 0 : i32
        %dma_wait3A_220 = tpu.memref_slice %arg2[%multiple_of3A, %dma_wait3A_219] : memref<320000x128xf32, #tpu.memory_space<hbm>> -> memref<128x128xf32, #tpu.memory_space<hbm>>
        %dma_wait3A_221 = arith.constant 0 : i32
        %dma_wait3A_222 = tpu.memref_slice %arg2[%multiple_of3A, %dma_wait3A_221] : memref<320000x128xf32, #tpu.memory_space<hbm>> -> memref<128x128xf32, #tpu.memory_space<hbm>>
        tpu.wait_dma2 semaphore(%arg14 : memref<!tpu.dma_semaphore, #tpu.memory_space<semaphore_mem>>) src(%dma_wait3A_222 : memref<128x128xf32, #tpu.memory_space<hbm>>) dst(%arg7 : memref<128x128xf32, #tpu.memory_space<vmem>>)
        %dma_start3A = arith.constant 0 : i32
        %dma_start3A_223 = arith.constant 0 : i32
        %dma_start3A_224 = tpu.memref_slice %arg13[%dma_start3A, %dma_start3A_223] : memref<10112x128xf32, #tpu.memory_space<vmem_shared>> -> memref<10112x128xf32, #tpu.memory_space<vmem_shared>>
        tpu.enqueue_indirect_dma source(%arg7 : memref<128x128xf32, #tpu.memory_space<vmem>>) target(%dma_start3A_224 : memref<10112x128xf32, #tpu.memory_space<vmem_shared>>) offsets(%arg10 : memref<128xi32, #tpu.memory_space<vmem>>) semaphore(%arg20 : memref<!tpu.dma_semaphore, #tpu.memory_space<semaphore_mem>>) {add = true}
      } else {
      }
      %mul3A_184 = arith.constant 3 : i32
      %mul3A_185 = arith.muli %mul3A_184, %while3A_175 : i32
      %add3A_186 = arith.constant 1 : i32
      %add3A_187 = arith.addi %mul3A_185, %add3A_186 : i32
      %lt3A_188 = arith.cmpi slt, %add3A_187, %select_n3A : i32
      %convert_element_type3A_189 = arith.extui %lt3A_188 : i1 to i32
      %cond3A_190 = arith.constant 0 : i32
      %cond3A_191 = arith.cmpi ne, %convert_element_type3A_189, %cond3A_190 : i32
      scf.if %cond3A_191 {
        %ge3A = arith.constant 1 : i32
        %ge3A_200 = arith.cmpi sge, %add3A_187, %ge3A : i32
        %convert_element_type3A_201 = arith.extui %ge3A_200 : i1 to i32
        %cond3A_202 = arith.constant 0 : i32
        %cond3A_203 = arith.cmpi ne, %convert_element_type3A_201, %cond3A_202 : i32
        scf.if %cond3A_203 {
          %dma_wait3A_225 = arith.constant 0 : i32
          %dma_wait3A_226 = arith.constant 0 : i32
          %dma_wait3A_227 = tpu.memref_slice %arg13[%dma_wait3A_225, %dma_wait3A_226] : memref<10112x128xf32, #tpu.memory_space<vmem_shared>> -> memref<10112x128xf32, #tpu.memory_space<vmem_shared>>
          tpu.wait_indirect_dma semaphore(%arg20 : memref<!tpu.dma_semaphore, #tpu.memory_space<semaphore_mem>>) src(%arg7 : memref<128x128xf32, #tpu.memory_space<vmem>>) dst(%dma_wait3A_227 : memref<10112x128xf32, #tpu.memory_space<vmem_shared>>)
        } else {
        }
        %add3A_204 = arith.constant 3 : i32
        %add3A_205 = arith.addi %add3A_187, %add3A_204 : i32
        %sub3A_206 = arith.constant 1 : i32
        %sub3A_207 = arith.subi %add3A_205, %sub3A_206 : i32
        %lt3A_208 = arith.cmpi slt, %sub3A_207, %select_n3A : i32
        %convert_element_type3A_209 = arith.extui %lt3A_208 : i1 to i32
        %cond3A_210 = arith.constant 0 : i32
        %cond3A_211 = arith.cmpi ne, %convert_element_type3A_209, %cond3A_210 : i32
        scf.if %cond3A_211 {
          %add3A_225 = arith.constant 3 : i32
          %add3A_226 = arith.addi %add3A_187, %add3A_225 : i32
          %sub3A_227 = arith.constant 1 : i32
          %sub3A_228 = arith.subi %add3A_226, %sub3A_227 : i32
          %mul3A_229 = arith.constant 16 : i32
          %mul3A_230 = arith.muli %sub3A_228, %mul3A_229 : i32
          %add3A_231 = arith.addi %arg1, %mul3A_230 : i32
          %mul3A_232 = arith.constant 128 : i32
          %mul3A_233 = arith.muli %add3A_231, %mul3A_232 : i32
          %add3A_234 = arith.addi %mul3A_43, %mul3A_233 : i32
          %multiple_of3A_235 = tpu.assume_multiple %add3A_234, 8 : i32
          %dma_start3A_236 = arith.constant 0 : i32
          %dma_start3A_237 = tpu.memref_slice %arg2[%multiple_of3A_235, %dma_start3A_236] : memref<320000x128xf32, #tpu.memory_space<hbm>> -> memref<128x128xf32, #tpu.memory_space<hbm>>
          %dma_start3A_238 = arith.constant 0 : i32
          %dma_start3A_239 = tpu.memref_slice %arg2[%multiple_of3A_235, %dma_start3A_238] : memref<320000x128xf32, #tpu.memory_space<hbm>> -> memref<128x128xf32, #tpu.memory_space<hbm>>
          tpu.enqueue_dma source(%dma_start3A_239 : memref<128x128xf32, #tpu.memory_space<hbm>>) target(%arg7 : memref<128x128xf32, #tpu.memory_space<vmem>>) target_semaphore(%arg14 : memref<!tpu.dma_semaphore, #tpu.memory_space<semaphore_mem>>)
          %dma_start3A_240 = tpu.memref_slice %arg3[%multiple_of3A_235] : memref<320000xi32, #tpu.memory_space<hbm>> -> memref<128xi32, #tpu.memory_space<hbm>>
          %dma_start3A_241 = tpu.memref_slice %arg3[%multiple_of3A_235] : memref<320000xi32, #tpu.memory_space<hbm>> -> memref<128xi32, #tpu.memory_space<hbm>>
          tpu.enqueue_dma source(%dma_start3A_241 : memref<128xi32, #tpu.memory_space<hbm>>) target(%arg10 : memref<128xi32, #tpu.memory_space<vmem>>) target_semaphore(%arg17 : memref<!tpu.dma_semaphore, #tpu.memory_space<semaphore_mem>>)
        } else {
        }
        %mul3A_212 = arith.constant 16 : i32
        %mul3A_213 = arith.muli %add3A_187, %mul3A_212 : i32
        %add3A_214 = arith.addi %arg1, %mul3A_213 : i32
        %mul3A_215 = arith.constant 128 : i32
        %mul3A_216 = arith.muli %add3A_214, %mul3A_215 : i32
        %add3A_217 = arith.addi %mul3A_43, %mul3A_216 : i32
        %multiple_of3A = tpu.assume_multiple %add3A_217, 8 : i32
        %dma_wait3A = tpu.memref_slice %arg3[%multiple_of3A] : memref<320000xi32, #tpu.memory_space<hbm>> -> memref<128xi32, #tpu.memory_space<hbm>>
        %dma_wait3A_218 = tpu.memref_slice %arg3[%multiple_of3A] : memref<320000xi32, #tpu.memory_space<hbm>> -> memref<128xi32, #tpu.memory_space<hbm>>
        tpu.wait_dma2 semaphore(%arg18 : memref<!tpu.dma_semaphore, #tpu.memory_space<semaphore_mem>>) src(%dma_wait3A_218 : memref<128xi32, #tpu.memory_space<hbm>>) dst(%arg11 : memref<128xi32, #tpu.memory_space<vmem>>)
        %dma_wait3A_219 = arith.constant 0 : i32
        %dma_wait3A_220 = tpu.memref_slice %arg2[%multiple_of3A, %dma_wait3A_219] : memref<320000x128xf32, #tpu.memory_space<hbm>> -> memref<128x128xf32, #tpu.memory_space<hbm>>
        %dma_wait3A_221 = arith.constant 0 : i32
        %dma_wait3A_222 = tpu.memref_slice %arg2[%multiple_of3A, %dma_wait3A_221] : memref<320000x128xf32, #tpu.memory_space<hbm>> -> memref<128x128xf32, #tpu.memory_space<hbm>>
        tpu.wait_dma2 semaphore(%arg15 : memref<!tpu.dma_semaphore, #tpu.memory_space<semaphore_mem>>) src(%dma_wait3A_222 : memref<128x128xf32, #tpu.memory_space<hbm>>) dst(%arg8 : memref<128x128xf32, #tpu.memory_space<vmem>>)
        %dma_start3A = arith.constant 0 : i32
        %dma_start3A_223 = arith.constant 0 : i32
        %dma_start3A_224 = tpu.memref_slice %arg13[%dma_start3A, %dma_start3A_223] : memref<10112x128xf32, #tpu.memory_space<vmem_shared>> -> memref<10112x128xf32, #tpu.memory_space<vmem_shared>>
        tpu.enqueue_indirect_dma source(%arg8 : memref<128x128xf32, #tpu.memory_space<vmem>>) target(%dma_start3A_224 : memref<10112x128xf32, #tpu.memory_space<vmem_shared>>) offsets(%arg11 : memref<128xi32, #tpu.memory_space<vmem>>) semaphore(%arg21 : memref<!tpu.dma_semaphore, #tpu.memory_space<semaphore_mem>>) {add = true}
      } else {
      }
      %mul3A_192 = arith.constant 3 : i32
      %mul3A_193 = arith.muli %mul3A_192, %while3A_175 : i32
      %add3A_194 = arith.constant 2 : i32
      %add3A_195 = arith.addi %mul3A_193, %add3A_194 : i32
      %lt3A_196 = arith.cmpi slt, %add3A_195, %select_n3A : i32
      %convert_element_type3A_197 = arith.extui %lt3A_196 : i1 to i32
      %cond3A_198 = arith.constant 0 : i32
      %cond3A_199 = arith.cmpi ne, %convert_element_type3A_197, %cond3A_198 : i32
      scf.if %cond3A_199 {
        %ge3A = arith.constant 1 : i32
        %ge3A_200 = arith.cmpi sge, %add3A_195, %ge3A : i32
        %convert_element_type3A_201 = arith.extui %ge3A_200 : i1 to i32
        %cond3A_202 = arith.constant 0 : i32
        %cond3A_203 = arith.cmpi ne, %convert_element_type3A_201, %cond3A_202 : i32
        scf.if %cond3A_203 {
          %dma_wait3A_225 = arith.constant 0 : i32
          %dma_wait3A_226 = arith.constant 0 : i32
          %dma_wait3A_227 = tpu.memref_slice %arg13[%dma_wait3A_225, %dma_wait3A_226] : memref<10112x128xf32, #tpu.memory_space<vmem_shared>> -> memref<10112x128xf32, #tpu.memory_space<vmem_shared>>
          tpu.wait_indirect_dma semaphore(%arg21 : memref<!tpu.dma_semaphore, #tpu.memory_space<semaphore_mem>>) src(%arg8 : memref<128x128xf32, #tpu.memory_space<vmem>>) dst(%dma_wait3A_227 : memref<10112x128xf32, #tpu.memory_space<vmem_shared>>)
        } else {
        }
        %add3A_204 = arith.constant 3 : i32
        %add3A_205 = arith.addi %add3A_195, %add3A_204 : i32
        %sub3A_206 = arith.constant 1 : i32
        %sub3A_207 = arith.subi %add3A_205, %sub3A_206 : i32
        %lt3A_208 = arith.cmpi slt, %sub3A_207, %select_n3A : i32
        %convert_element_type3A_209 = arith.extui %lt3A_208 : i1 to i32
        %cond3A_210 = arith.constant 0 : i32
        %cond3A_211 = arith.cmpi ne, %convert_element_type3A_209, %cond3A_210 : i32
        scf.if %cond3A_211 {
          %add3A_225 = arith.constant 3 : i32
          %add3A_226 = arith.addi %add3A_195, %add3A_225 : i32
          %sub3A_227 = arith.constant 1 : i32
          %sub3A_228 = arith.subi %add3A_226, %sub3A_227 : i32
          %mul3A_229 = arith.constant 16 : i32
          %mul3A_230 = arith.muli %sub3A_228, %mul3A_229 : i32
          %add3A_231 = arith.addi %arg1, %mul3A_230 : i32
          %mul3A_232 = arith.constant 128 : i32
          %mul3A_233 = arith.muli %add3A_231, %mul3A_232 : i32
          %add3A_234 = arith.addi %mul3A_43, %mul3A_233 : i32
          %multiple_of3A_235 = tpu.assume_multiple %add3A_234, 8 : i32
          %dma_start3A_236 = arith.constant 0 : i32
          %dma_start3A_237 = tpu.memref_slice %arg2[%multiple_of3A_235, %dma_start3A_236] : memref<320000x128xf32, #tpu.memory_space<hbm>> -> memref<128x128xf32, #tpu.memory_space<hbm>>
          %dma_start3A_238 = arith.constant 0 : i32
          %dma_start3A_239 = tpu.memref_slice %arg2[%multiple_of3A_235, %dma_start3A_238] : memref<320000x128xf32, #tpu.memory_space<hbm>> -> memref<128x128xf32, #tpu.memory_space<hbm>>
          tpu.enqueue_dma source(%dma_start3A_239 : memref<128x128xf32, #tpu.memory_space<hbm>>) target(%arg8 : memref<128x128xf32, #tpu.memory_space<vmem>>) target_semaphore(%arg15 : memref<!tpu.dma_semaphore, #tpu.memory_space<semaphore_mem>>)
          %dma_start3A_240 = tpu.memref_slice %arg3[%multiple_of3A_235] : memref<320000xi32, #tpu.memory_space<hbm>> -> memref<128xi32, #tpu.memory_space<hbm>>
          %dma_start3A_241 = tpu.memref_slice %arg3[%multiple_of3A_235] : memref<320000xi32, #tpu.memory_space<hbm>> -> memref<128xi32, #tpu.memory_space<hbm>>
          tpu.enqueue_dma source(%dma_start3A_241 : memref<128xi32, #tpu.memory_space<hbm>>) target(%arg11 : memref<128xi32, #tpu.memory_space<vmem>>) target_semaphore(%arg18 : memref<!tpu.dma_semaphore, #tpu.memory_space<semaphore_mem>>)
        } else {
        }
        %mul3A_212 = arith.constant 16 : i32
        %mul3A_213 = arith.muli %add3A_195, %mul3A_212 : i32
        %add3A_214 = arith.addi %arg1, %mul3A_213 : i32
        %mul3A_215 = arith.constant 128 : i32
        %mul3A_216 = arith.muli %add3A_214, %mul3A_215 : i32
        %add3A_217 = arith.addi %mul3A_43, %mul3A_216 : i32
        %multiple_of3A = tpu.assume_multiple %add3A_217, 8 : i32
        %dma_wait3A = tpu.memref_slice %arg3[%multiple_of3A] : memref<320000xi32, #tpu.memory_space<hbm>> -> memref<128xi32, #tpu.memory_space<hbm>>
        %dma_wait3A_218 = tpu.memref_slice %arg3[%multiple_of3A] : memref<320000xi32, #tpu.memory_space<hbm>> -> memref<128xi32, #tpu.memory_space<hbm>>
        tpu.wait_dma2 semaphore(%arg19 : memref<!tpu.dma_semaphore, #tpu.memory_space<semaphore_mem>>) src(%dma_wait3A_218 : memref<128xi32, #tpu.memory_space<hbm>>) dst(%arg12 : memref<128xi32, #tpu.memory_space<vmem>>)
        %dma_wait3A_219 = arith.constant 0 : i32
        %dma_wait3A_220 = tpu.memref_slice %arg2[%multiple_of3A, %dma_wait3A_219] : memref<320000x128xf32, #tpu.memory_space<hbm>> -> memref<128x128xf32, #tpu.memory_space<hbm>>
        %dma_wait3A_221 = arith.constant 0 : i32
        %dma_wait3A_222 = tpu.memref_slice %arg2[%multiple_of3A, %dma_wait3A_221] : memref<320000x128xf32, #tpu.memory_space<hbm>> -> memref<128x128xf32, #tpu.memory_space<hbm>>
        tpu.wait_dma2 semaphore(%arg16 : memref<!tpu.dma_semaphore, #tpu.memory_space<semaphore_mem>>) src(%dma_wait3A_222 : memref<128x128xf32, #tpu.memory_space<hbm>>) dst(%arg9 : memref<128x128xf32, #tpu.memory_space<vmem>>)
        %dma_start3A = arith.constant 0 : i32
        %dma_start3A_223 = arith.constant 0 : i32
        %dma_start3A_224 = tpu.memref_slice %arg13[%dma_start3A, %dma_start3A_223] : memref<10112x128xf32, #tpu.memory_space<vmem_shared>> -> memref<10112x128xf32, #tpu.memory_space<vmem_shared>>
        tpu.enqueue_indirect_dma source(%arg9 : memref<128x128xf32, #tpu.memory_space<vmem>>) target(%dma_start3A_224 : memref<10112x128xf32, #tpu.memory_space<vmem_shared>>) offsets(%arg12 : memref<128xi32, #tpu.memory_space<vmem>>) semaphore(%arg22 : memref<!tpu.dma_semaphore, #tpu.memory_space<semaphore_mem>>) {add = true}
      } else {
      }
    }
    %gt3A_88 = arith.constant 0 : i32
    %gt3A_89 = arith.cmpi sgt, %select_n3A, %gt3A_88 : i32
    %sub3A_90 = arith.constant 1 : i32
    %sub3A_91 = arith.subi %select_n3A, %sub3A_90 : i32
    %jit3A_92 = arith.constant 3 : i32
    %eq3A = arith.constant 0 : i32
    %eq3A_93 = arith.cmpi eq, %jit3A_92, %eq3A : i32
    %jit3A_94 = arith.constant 1 : i32
    %select_n3A_95 = arith.select %eq3A_93, %jit3A_94, %jit3A_92 : i32
    %rem3A_96 = arith.remsi %sub3A_91, %select_n3A_95 : i32
    %ne3A_97 = arith.constant 0 : i32
    %ne3A_98 = arith.cmpi ne, %rem3A_96, %ne3A_97 : i32
    %lt3A = arith.constant 0 : i32
    %lt3A_99 = arith.cmpi slt, %rem3A_96, %lt3A : i32
    %lt3A_100 = arith.constant 0 : i32
    %lt3A_101 = arith.cmpi slt, %select_n3A_95, %lt3A_100 : i32
    %ne3A_102 = arith.xori %lt3A_99, %lt3A_101 : i1
    %and3A_103 = arith.andi %ne3A_102, %ne3A_98 : i1
    %add3A_104 = arith.addi %rem3A_96, %select_n3A_95 : i32
    %select_n3A_105 = arith.select %and3A_103, %add3A_104, %rem3A_96 : i32
    %eq3A_106 = arith.constant 0 : i32
    %eq3A_107 = arith.cmpi eq, %select_n3A_105, %eq3A_106 : i32
    %and3A_108 = arith.andi %gt3A_89, %eq3A_107 : i1
    %convert_element_type3A_109 = arith.extui %and3A_108 : i1 to i32
    %cond3A_110 = arith.constant 0 : i32
    %cond3A_111 = arith.cmpi ne, %convert_element_type3A_109, %cond3A_110 : i32
    scf.if %cond3A_111 {
      %dma_wait3A = arith.constant 0 : i32
      %dma_wait3A_175 = arith.constant 0 : i32
      %dma_wait3A_176 = tpu.memref_slice %arg13[%dma_wait3A, %dma_wait3A_175] : memref<10112x128xf32, #tpu.memory_space<vmem_shared>> -> memref<10112x128xf32, #tpu.memory_space<vmem_shared>>
      tpu.wait_indirect_dma semaphore(%arg20 : memref<!tpu.dma_semaphore, #tpu.memory_space<semaphore_mem>>) src(%arg7 : memref<128x128xf32, #tpu.memory_space<vmem>>) dst(%dma_wait3A_176 : memref<10112x128xf32, #tpu.memory_space<vmem_shared>>)
    } else {
    }
    %gt3A_112 = arith.constant 0 : i32
    %gt3A_113 = arith.cmpi sgt, %select_n3A, %gt3A_112 : i32
    %sub3A_114 = arith.constant 1 : i32
    %sub3A_115 = arith.subi %select_n3A, %sub3A_114 : i32
    %jit3A_116 = arith.constant 3 : i32
    %eq3A_117 = arith.constant 0 : i32
    %eq3A_118 = arith.cmpi eq, %jit3A_116, %eq3A_117 : i32
    %jit3A_119 = arith.constant 1 : i32
    %select_n3A_120 = arith.select %eq3A_118, %jit3A_119, %jit3A_116 : i32
    %rem3A_121 = arith.remsi %sub3A_115, %select_n3A_120 : i32
    %ne3A_122 = arith.constant 0 : i32
    %ne3A_123 = arith.cmpi ne, %rem3A_121, %ne3A_122 : i32
    %lt3A_124 = arith.constant 0 : i32
    %lt3A_125 = arith.cmpi slt, %rem3A_121, %lt3A_124 : i32
    %lt3A_126 = arith.constant 0 : i32
    %lt3A_127 = arith.cmpi slt, %select_n3A_120, %lt3A_126 : i32
    %ne3A_128 = arith.xori %lt3A_125, %lt3A_127 : i1
    %and3A_129 = arith.andi %ne3A_128, %ne3A_123 : i1
    %add3A_130 = arith.addi %rem3A_121, %select_n3A_120 : i32
    %select_n3A_131 = arith.select %and3A_129, %add3A_130, %rem3A_121 : i32
    %eq3A_132 = arith.constant 1 : i32
    %eq3A_133 = arith.cmpi eq, %select_n3A_131, %eq3A_132 : i32
    %and3A_134 = arith.andi %gt3A_113, %eq3A_133 : i1
    %convert_element_type3A_135 = arith.extui %and3A_134 : i1 to i32
    %cond3A_136 = arith.constant 0 : i32
    %cond3A_137 = arith.cmpi ne, %convert_element_type3A_135, %cond3A_136 : i32
    scf.if %cond3A_137 {
      %dma_wait3A = arith.constant 0 : i32
      %dma_wait3A_175 = arith.constant 0 : i32
      %dma_wait3A_176 = tpu.memref_slice %arg13[%dma_wait3A, %dma_wait3A_175] : memref<10112x128xf32, #tpu.memory_space<vmem_shared>> -> memref<10112x128xf32, #tpu.memory_space<vmem_shared>>
      tpu.wait_indirect_dma semaphore(%arg21 : memref<!tpu.dma_semaphore, #tpu.memory_space<semaphore_mem>>) src(%arg8 : memref<128x128xf32, #tpu.memory_space<vmem>>) dst(%dma_wait3A_176 : memref<10112x128xf32, #tpu.memory_space<vmem_shared>>)
    } else {
    }
    %gt3A_138 = arith.constant 0 : i32
    %gt3A_139 = arith.cmpi sgt, %select_n3A, %gt3A_138 : i32
    %sub3A_140 = arith.constant 1 : i32
    %sub3A_141 = arith.subi %select_n3A, %sub3A_140 : i32
    %jit3A_142 = arith.constant 3 : i32
    %eq3A_143 = arith.constant 0 : i32
    %eq3A_144 = arith.cmpi eq, %jit3A_142, %eq3A_143 : i32
    %jit3A_145 = arith.constant 1 : i32
    %select_n3A_146 = arith.select %eq3A_144, %jit3A_145, %jit3A_142 : i32
    %rem3A_147 = arith.remsi %sub3A_141, %select_n3A_146 : i32
    %ne3A_148 = arith.constant 0 : i32
    %ne3A_149 = arith.cmpi ne, %rem3A_147, %ne3A_148 : i32
    %lt3A_150 = arith.constant 0 : i32
    %lt3A_151 = arith.cmpi slt, %rem3A_147, %lt3A_150 : i32
    %lt3A_152 = arith.constant 0 : i32
    %lt3A_153 = arith.cmpi slt, %select_n3A_146, %lt3A_152 : i32
    %ne3A_154 = arith.xori %lt3A_151, %lt3A_153 : i1
    %and3A_155 = arith.andi %ne3A_154, %ne3A_149 : i1
    %add3A_156 = arith.addi %rem3A_147, %select_n3A_146 : i32
    %select_n3A_157 = arith.select %and3A_155, %add3A_156, %rem3A_147 : i32
    %eq3A_158 = arith.constant 2 : i32
    %eq3A_159 = arith.cmpi eq, %select_n3A_157, %eq3A_158 : i32
    %and3A_160 = arith.andi %gt3A_139, %eq3A_159 : i1
    %convert_element_type3A_161 = arith.extui %and3A_160 : i1 to i32
    %cond3A_162 = arith.constant 0 : i32
    %cond3A_163 = arith.cmpi ne, %convert_element_type3A_161, %cond3A_162 : i32
    scf.if %cond3A_163 {
      %dma_wait3A = arith.constant 0 : i32
      %dma_wait3A_175 = arith.constant 0 : i32
      %dma_wait3A_176 = tpu.memref_slice %arg13[%dma_wait3A, %dma_wait3A_175] : memref<10112x128xf32, #tpu.memory_space<vmem_shared>> -> memref<10112x128xf32, #tpu.memory_space<vmem_shared>>
      tpu.wait_indirect_dma semaphore(%arg22 : memref<!tpu.dma_semaphore, #tpu.memory_space<semaphore_mem>>) src(%arg9 : memref<128x128xf32, #tpu.memory_space<vmem>>) dst(%dma_wait3A_176 : memref<10112x128xf32, #tpu.memory_space<vmem_shared>>)
    } else {
    }
    %barrier3A_164 = arith.constant 0 : index
    tpu.barrier barrier_id(%barrier3A_164)
    %eq3A_165 = arith.constant 0 : i32
    %eq3A_166 = arith.cmpi eq, %arg0, %eq3A_165 : i32
    %convert_element_type3A_167 = arith.extui %eq3A_166 : i1 to i32
    %cond3A_168 = arith.constant 0 : i32
    %cond3A_169 = arith.cmpi ne, %convert_element_type3A_167, %cond3A_168 : i32
    scf.if %cond3A_169 {
      %mul3A_175 = arith.constant 632 : i32
      %mul3A_176 = arith.muli %mul3A_175, %arg1 : i32
      %mul3A_177 = arith.constant 632 : i32
      %mul3A_178 = arith.muli %mul3A_177, %arg1 : i32
      "tpu.region"() ({
        %run_scoped3A = tpu.sem_alloc : memref<!tpu.dma_semaphore, #tpu.memory_space<semaphore_mem>>
        %dma_start3A = arith.constant 0 : i32
        %dma_start3A_179 = tpu.memref_slice %arg5[%mul3A_178, %dma_start3A] : memref<10112x128xf32, #tpu.memory_space<hbm>> -> memref<632x128xf32, #tpu.memory_space<hbm>>
        %dma_start3A_180 = arith.constant 0 : i32
        %dma_start3A_181 = tpu.memref_slice %arg13[%mul3A_176, %dma_start3A_180] : memref<10112x128xf32, #tpu.memory_space<vmem_shared>> -> memref<632x128xf32, #tpu.memory_space<vmem_shared>>
        tpu.enqueue_dma source(%dma_start3A_181 : memref<632x128xf32, #tpu.memory_space<vmem_shared>>) target(%dma_start3A_179 : memref<632x128xf32, #tpu.memory_space<hbm>>) target_semaphore(%run_scoped3A : memref<!tpu.dma_semaphore, #tpu.memory_space<semaphore_mem>>)
        %dma_wait3A = arith.constant 0 : i32
        %dma_wait3A_182 = tpu.memref_slice %arg5[%mul3A_178, %dma_wait3A] : memref<10112x128xf32, #tpu.memory_space<hbm>> -> memref<632x128xf32, #tpu.memory_space<hbm>>
        %dma_wait3A_183 = arith.constant 0 : i32
        %dma_wait3A_184 = tpu.memref_slice %arg13[%mul3A_176, %dma_wait3A_183] : memref<10112x128xf32, #tpu.memory_space<vmem_shared>> -> memref<632x128xf32, #tpu.memory_space<vmem_shared>>
        tpu.wait_dma2 semaphore(%run_scoped3A : memref<!tpu.dma_semaphore, #tpu.memory_space<semaphore_mem>>) src(%dma_wait3A_184 : memref<632x128xf32, #tpu.memory_space<vmem_shared>>) dst(%dma_wait3A_182 : memref<632x128xf32, #tpu.memory_space<hbm>>)
        tpu.yield
      }) : () -> ()
    } else {
    }
    %eq3A_170 = arith.constant 1 : i32
    %eq3A_171 = arith.cmpi eq, %arg0, %eq3A_170 : i32
    %convert_element_type3A_172 = arith.extui %eq3A_171 : i1 to i32
    %cond3A_173 = arith.constant 0 : i32
    %cond3A_174 = arith.cmpi ne, %convert_element_type3A_172, %cond3A_173 : i32
    scf.if %cond3A_174 {
      %mul3A_175 = arith.constant 632 : i32
      %mul3A_176 = arith.muli %mul3A_175, %arg1 : i32
      %mul3A_177 = arith.constant 632 : i32
      %mul3A_178 = arith.muli %mul3A_177, %arg1 : i32
      "tpu.region"() ({
        %run_scoped3A = tpu.sem_alloc : memref<!tpu.dma_semaphore, #tpu.memory_space<semaphore_mem>>
        %dma_start3A = arith.constant 0 : i32
        %dma_start3A_179 = tpu.memref_slice %arg6[%mul3A_178, %dma_start3A] : memref<10112x128xf32, #tpu.memory_space<hbm>> -> memref<632x128xf32, #tpu.memory_space<hbm>>
        %dma_start3A_180 = arith.constant 0 : i32
        %dma_start3A_181 = tpu.memref_slice %arg13[%mul3A_176, %dma_start3A_180] : memref<10112x128xf32, #tpu.memory_space<vmem_shared>> -> memref<632x128xf32, #tpu.memory_space<vmem_shared>>
        tpu.enqueue_dma source(%dma_start3A_181 : memref<632x128xf32, #tpu.memory_space<vmem_shared>>) target(%dma_start3A_179 : memref<632x128xf32, #tpu.memory_space<hbm>>) target_semaphore(%run_scoped3A : memref<!tpu.dma_semaphore, #tpu.memory_space<semaphore_mem>>)
        %dma_wait3A = arith.constant 0 : i32
        %dma_wait3A_182 = tpu.memref_slice %arg6[%mul3A_178, %dma_wait3A] : memref<10112x128xf32, #tpu.memory_space<hbm>> -> memref<632x128xf32, #tpu.memory_space<hbm>>
        %dma_wait3A_183 = arith.constant 0 : i32
        %dma_wait3A_184 = tpu.memref_slice %arg13[%mul3A_176, %dma_wait3A_183] : memref<10112x128xf32, #tpu.memory_space<vmem_shared>> -> memref<632x128xf32, #tpu.memory_space<vmem_shared>>
        tpu.wait_dma2 semaphore(%run_scoped3A : memref<!tpu.dma_semaphore, #tpu.memory_space<semaphore_mem>>) src(%dma_wait3A_184 : memref<632x128xf32, #tpu.memory_space<vmem_shared>>) dst(%dma_wait3A_182 : memref<632x128xf32, #tpu.memory_space<hbm>>)
        tpu.yield
      }) : () -> ()
    } else {
    }
    return
  }
}

module attributes {stable_mosaic.version = 14 : i64} {
  func.func @_add_body(%arg0: i32, %arg1: memref<2000x128xf32, #tpu.memory_space<vmem>>, %arg2: memref<2000x128xf32, #tpu.memory_space<vmem>>, %arg3: memref<2000x128xf32, #tpu.memory_space<vmem>>) attributes {dimension_semantics = [#tpu.dimension_semantics<arbitrary>], iteration_bounds = array<i64: 5>, scalar_prefetch = 0 : i64, scratch_operands = 0 : i64, tpu.core_type = #tpu.core_type<tc>, window_params = [{transform_indices = @transform_0, window_bounds = array<i64: 2000, 128>}, {transform_indices = @transform_1, window_bounds = array<i64: 2000, 128>}, {transform_indices = @transform_2, window_bounds = array<i64: 2000, 128>}]} {
    %get3A = arith.constant 0 : index
    %get3A_0 = arith.constant 0 : index
    %get3A_1 = vector.load %arg1[%get3A, %get3A_0] : memref<2000x128xf32, #tpu.memory_space<vmem>>, vector<2000x128xf32>
    %get3A_2 = arith.constant 0 : index
    %get3A_3 = arith.constant 0 : index
    %get3A_4 = vector.load %arg2[%get3A_2, %get3A_3] : memref<2000x128xf32, #tpu.memory_space<vmem>>, vector<2000x128xf32>
    %add3A = arith.addf %get3A_1, %get3A_4 : vector<2000x128xf32>
    %swap3A = arith.constant 0 : index
    %swap3A_5 = arith.constant 0 : index
    %swap3A_6 = vector.load %arg3[%swap3A, %swap3A_5] : memref<2000x128xf32, #tpu.memory_space<vmem>>, vector<2000x128xf32>
    tpu.vector_store %arg3[%swap3A, %swap3A_5], %add3A {strides = array<i32>} : memref<2000x128xf32, #tpu.memory_space<vmem>>, vector<2000x128xf32>,
    return
  }
  func.func @transform_0(%arg0: i32) -> (i32, i32) {
    %c0_i32 = arith.constant 0 : i32
    %c0_i32_0 = arith.constant 0 : i32
    return %arg0, %c0_i32 : i32, i32
  }
  func.func @transform_1(%arg0: i32) -> (i32, i32) {
    %c0_i32 = arith.constant 0 : i32
    %c0_i32_0 = arith.constant 0 : i32
    return %arg0, %c0_i32 : i32, i32
  }
  func.func @transform_2(%arg0: i32) -> (i32, i32) {
    %c0_i32 = arith.constant 0 : i32
    %c0_i32_0 = arith.constant 0 : i32
    return %arg0, %c0_i32 : i32, i32
  }
}

</mosaic_0001>

<sc_bundles>
// kernel: kernel.4.cloned.1.call-start
scs
__scs_entry_jumppad:
0x0: {  	(pc) =	sbr.rel $0x88, $3  }
0x1: {  	(tag) =	ssettag $0x0;
	lr =	simm.s32 $0x1  }
0x2: {  	[smem:$0x3F9F] =	sst lr;
	_ =	strace $0xD0000000  }
0x3: {  	_ = 	snop  }
0x4: {  	_ = 	snop  }
0x5: {  	_ = 	snop  }
0x6: {  	_ = 	snop  }
0x7: {  	_ = 	snop  }
__scs_overlays_trampoline_lowered:
0x8: {  	[smem:$0x3FAE] =	sst s0  }
0x9: {  	[smem:$0x3FAF] =	sst s1  }
0xa: {  	[smem:$0x3FB0] =	sst s2  }
0xb: {  	[smem:$0x3FB1] =	sst s3  }
0xc: {  	[smem:$0x3FB2] =	sst s4  }
0xd: {  	[smem:$0x3FB3] =	sst s5  }
0xe: {  	[smem:$0x3FB4] =	sst s6  }
0xf: {  	[smem:$0x3FB5] =	sst s7  }
0x10: {  	[smem:$0x3FB6] =	sst s8  }
0x11: {  	[smem:$0x3FB7] =	sst s9;
	s0 =	simm.s32 @!p0 $0x0  }
0x12: {  	s1 =	sld [smem:$0x3F9D];
	s0 =	simm.s32 @p0 $0x1  }
0x13: {  	[smem:$0x3FB8] =	sst s0;
	s0 =	simm.s32 @!p1 $0x0  }
0x14: {  	s2 =	sld [smem:$0x3F9C];
	s0 =	simm.s32 @p1 $0x1  }
0x15: {  	[smem:$0x3FB9] =	sst s0;
	s0 =	simm.s32 @!p2 $0x0  }
0x16: {  	s3 =	sld [smem:$0x3FDB];
	s0 =	simm.s32 @p2 $0x1  }
0x17: {  	s4 =	simm.s32 $0x1BF5;
	[smem:$0x3FBB] =	sst s0  }
0x18: {  	s0 =	sld [smem:$0x3F9E];
	_ =	swait.ge [sflag:s4], $0x0  }
0x19: {  	s7 =	sld [smem:$0x3F9F]  }
0x1a: {  	s8 =	sadd.s32 $0xFFFFE003, lr  }
0x1b: {  	s9 =	sadd.s32 $0xFFFFFEF7, lr;
	s5 =	simm.s32 $0xFFFFFFFF;
	p2 =	slt.u32 s8, $0xFFFFF086  }
0x1c: {  	p1 =	slt.u32 s9, $0xF7A;
	s5 =	simm.s32 @!p2 $0x0  }
0x1d: {  	s5 =	simm.s32 @p1 $0x1;
	p0 =	seq.s32 s7, s2  }
0x1e: {  	s7 =	smul.u32 @!p0 $0xF7A, s2;
	p2 =	seq.s32 @!p0 s5, $0x0  }
0x1f: {  	s9 =	smul.u32 $0xF7A, s1;
	s8 =	simm.s32 @!p0 $0x1BF5;
	p2 =	por !p2, p0  }
0x20: {  	[sflag:s8] =	ssyncset.s32 @!p0 $0xFFFFF086;
	s6 =	sadd.s32 @!p0 s3, s7;
	s7 =	simm.s32 @!p0 $0x108  }
0x21: {  	s3 =	sadd.s32 s3, s9;
	s6 =	sadd.s32 @!p0 $0x88, s6;
	s7 =	simm.s32 @p2 $0x1082  }
0x22: {  	[simem:s7], [sflag:s8] =	dma.local @!p0 [hbm:s6], $0xF7A  }
0x23: {  	s9 =	sor.u32 $0xD0000000, s2;
	s6 =	simm.s32 $0x108;
	_ =	swait.ge @!p0 [sflag:s8], $0x0  }
0x24: {  	s3 =	sadd.s32 $0x88, s3;
	s6 =	simm.s32 @!p1 $0x1082;
	[sflag:s4] =	ssyncset.s32 $0xFFFFF086  }
0x25: {  	[simem:s6], [sflag:s4] =	dma.local [hbm:s3], $0xF7A  }
0x26: {  	[smem:$0x3F9F] =	sst s1;
	(tag) =	ssettag s2;
	_ =	strace s9  }
0x27: {  	s1 =	sld [smem:$0x3FAF]  }
0x28: {  	s2 =	sld [smem:$0x3FB0]  }
0x29: {  	s4 =	sld [smem:$0x3FB2]  }
0x2a: {  	p0 =	seq.s32 s5, $0x0;
	s5 =	sld [smem:$0x3FB3]  }
0x2b: {  	s6 =	sld [smem:$0x3FB4]  }
0x2c: {  	s7 =	sld [smem:$0x3FB5]  }
0x2d: {  	s3 =	simm.s32 $0x108;
	s8 =	sld [smem:$0x3FB6]  }
0x2e: {  	s3 =	simm.s32 @!p0 $0x1082;
	s9 =	sld [smem:$0x3FB7]  }
0x2f: {  	lr =	sadd.s32 s0, s3;
	s0 =	sld [smem:$0x3FAE]  }
0x30: {  	s3 =	sld [smem:$0x3FB1]  }
0x31: {  	[smem:$0x3FBA] =	sst s10  }
0x32: {  	s10 =	sld [smem:$0x3FB8];
	_ =	sdelay $0x3  }
0x33: {  	p0 =	seq.s32 s10, $0x1;
	s10 =	sld [smem:$0x3FBA];
	_ =	sdelay $0x3  }
0x34: {  	[smem:$0x3FBA] =	sst s10  }
0x35: {  	s10 =	sld [smem:$0x3FB9];
	_ =	sdelay $0x3  }
0x36: {  	p1 =	seq.s32 s10, $0x1;
	s10 =	sld [smem:$0x3FBA];
	_ =	sdelay $0x3  }
0x37: {  	[smem:$0x3FBA] =	sst s10  }
0x38: {  	s10 =	sld [smem:$0x3FBB]  }
0x39: {  	_ = 	snop;
	(pc) =	sbr.ind lr, $3  }
0x3a: {  	_ = 	snop  }
0x3b: {  	_ = 	snop  }
0x3c: {  	p2 =	seq.s32 s10, $0x1;
	s10 =	sld [smem:$0x3FBA]  }
0x3d: {  	_ =	shalt  }
0x3e: {  	_ =	shalt  }
0x3f: {  	_ =	shalt  }
0x40: {  	_ =	shalt  }
0x41: {  	_ =	shalt  }
0x42: {  	_ =	shalt  }
0x43: {  	_ =	shalt  }
0x44: {  	_ =	shalt  }
0x45: {  	_ =	shalt  }
0x46: {  	_ =	shalt  }
0x47: {  	_ =	shalt  }
0x48: {  	_ =	shalt  }
0x49: {  	_ =	shalt  }
0x4a: {  	_ =	shalt  }
0x4b: {  	_ =	shalt  }
0x4c: {  	_ =	shalt  }
0x4d: {  	_ =	shalt  }
0x4e: {  	_ =	shalt  }
0x4f: {  	_ =	shalt  }
0x50: {  	_ =	shalt  }
0x51: {  	_ =	shalt  }
0x52: {  	_ =	shalt  }
0x53: {  	_ =	shalt  }
0x54: {  	_ =	shalt  }
0x55: {  	_ =	shalt  }
0x56: {  	_ =	shalt  }
0x57: {  	_ =	shalt  }
0x58: {  	_ =	shalt  }
0x59: {  	_ =	shalt  }
0x5a: {  	_ =	shalt  }
0x5b: {  	_ =	shalt  }
0x5c: {  	_ =	shalt  }
0x5d: {  	_ =	shalt  }
0x5e: {  	_ =	shalt  }
0x5f: {  	_ =	shalt  }
0x60: {  	_ =	shalt  }
0x61: {  	_ =	shalt  }
0x62: {  	_ =	shalt  }
0x63: {  	_ =	shalt  }
0x64: {  	_ =	shalt  }
0x65: {  	_ =	shalt  }
0x66: {  	_ =	shalt  }
0x67: {  	_ =	shalt  }
0x68: {  	_ =	shalt  }
0x69: {  	_ =	shalt  }
0x6a: {  	_ =	shalt  }
0x6b: {  	_ =	shalt  }
0x6c: {  	_ =	shalt  }
0x6d: {  	_ =	shalt  }
0x6e: {  	_ =	shalt  }
0x6f: {  	_ =	shalt  }
0x70: {  	_ =	shalt  }
0x71: {  	_ =	shalt  }
0x72: {  	_ =	shalt  }
0x73: {  	_ =	shalt  }
0x74: {  	_ =	shalt  }
0x75: {  	_ =	shalt  }
0x76: {  	_ =	shalt  }
0x77: {  	_ =	shalt  }
0x78: {  	_ =	shalt  }
0x79: {  	_ =	shalt  }
0x7a: {  	_ =	shalt  }
0x7b: {  	_ =	shalt  }
0x7c: {  	_ =	shalt  }
0x7d: {  	_ =	shalt  }
0x7e: {  	_ =	shalt  }
0x7f: {  	_ =	shalt  }
0x80: {  	_ =	shalt  }
0x81: {  	_ =	shalt  }
0x82: {  	_ =	shalt  }
0x83: {  	_ =	shalt  }
0x84: {  	_ =	shalt  }
0x85: {  	_ =	shalt  }
0x86: {  	_ =	shalt  }
0x87: {  	_ =	shalt  }
.Lfunc_end0:
.L_simem_size_0:
called_computation_lowered:
.L_overlay_start_0:
0x88: {  	s2 =	sld [smem:$0x3FD9]  }
0x89: {  	s3 =	sld [smem:$0x3FFE];
	_ =	sdelay $0x1  }
0x8a: {  	s1 =	srdreg.scid  }
0x8b: {  	s0 =	sand.u32 $0x1, s1  }
0x8c: {  	s17 =	sshll.u32 s0, $0xA;
	s2 =	sadd.s32 s3, s2  }
0x8d: {  	s2 =	sadd.s32 s2, s17  }
0x8e: {  	[smem:$0x3FC6] =	sst s2  }
0x8f: {  	_ = 	snop  }
0x90: {  	s2 =	sld [smem:$0x3FC9]  }
0x91: {  	s18 =	sld [smem:$0x3FC8]  }
0x92: {  	s4 =	sld [smem:$0x3FD0];
	(tm) =	ssettm $0x1  }
0x93: {  	s5 =	sld [smem:$0x3FFB];
	_ =	sdelay $0x3  }
0x94: {  	_ =	strace s5  }
0x95: {  	s5 =	sld [smem:$0x3FFC];
	_ =	sdelay $0x3  }
0x96: {  	_ =	strace s5  }
0x97: {  	s5 =	sld [smem:$0x3FFD];
	_ =	sdelay $0x3  }
0x98: {  	_ =	strace s5  }
0x99: {  	_ =	strace $0x8FFFFFFF  }
0x9a: {  	s19 =	sld [smem:$0x3FDB];
	_ =	sdelay $0x1  }
0x9b: {  	s6 =	simm.s32 $_scs_section_size  }
0x9c: {  	s7 =	simm.s32 $_size__tile_overlayer_lowered;
	s8 =	simm.s32 $_tile_overlayer_lowered  }
0x9d: {  	s22 =	simm.s32 $0x1BFF;
	s21 =	sshll.u32 s8, $0x1;
	s5 =	sadd.s32 s6, s19  }
0x9e: {  	s9 =	simm.s32 $0x0;
	s20 =	sshll.u32 s7, $0x1;
	s7 =	sadd.s32 s21, s5  }
0x9f: {  	[timem:s9], [sflag:s22] =	dma.local [hbm:s7], s20  }
0xa0: {  	_ =	swait.ge [sflag:s22], s20  }
0xa1: {  	s6 =	ssub.s32 $0x0, s20;
	[sflag:s22] =	ssyncset.done $0x0  }
0xa2: {  	[sflag:s22] =	ssyncadd.s32 s6;
	_ =	sdelay $0x1  }
0xa3: {  	s23 =	simm.s32 $0x1B8B  }
0xa4: {  	_ =	swait.ge [sflag:s23], $0x1  }
0xa5: {  	[sflag:s23] =	ssyncset.done $0x0  }
0xa6: {  	s25 =	simm.s32 $0x1B8E;
	s24 =	sld [smem:$0x3FFE];
	[sflag:s23] =	ssyncadd.s32 $0xFFFFFFFF  }
0xa7: {  	s26 =	simm.s32 $execute0_lowered;
	[smem:$0x3FD2] =	sst s25  }
0xa8: {  	s7 =	sshll.u32 s26, $0x1;
	_ =	strace $0x80000046;
	[dreg:$0x1] =	wrdreg $0xFFFFFFFF  }
0xa9: {  	s28 =	simm.s32 $_size_execute0_lowered;
	s5 =	sadd.s32 s5, s7;
	[dreg:$0x0] =	wrdreg $0x0  }
0xaa: {  	s7 =	sshll.u32 s28, $0x1;
	[dreg:$0x2] =	wrdreg s5  }
0xab: {  	[dreg:$0x3] =	wrdreg s7  }
0xac: {  	[dreg:$0x4] =	wrdreg $0xC0  }
0xad: {  	_ =	task [dreg:s9], $0x5FFFF  }
0xae: {  	[dreg:$0x1] =	wrdreg $0xFFFFFFFF  }
0xaf: {  	[dreg:$0x0] =	wrdreg $0x60  }
0xb0: {  	[dreg:$0x2] =	wrdreg s2  }
0xb1: {  	[dreg:$0x3] =	wrdreg s18  }
0xb2: {  	[dreg:$0x4] =	wrdreg s4  }
0xb3: {  	[dreg:$0x5] =	wrdreg s24  }
0xb4: {  	[dreg:$0x6] =	wrdreg $0xC1800  }
0xb5: {  	[dreg:$0x7] =	wrdreg $0x9  }
0xb6: {  	_ =	task.clear_ibuf [dreg:s9], $0x8FFFF;
	_ =	strace $0x90000046  }
0xb7: {  	s29 =	simm.s32 $0x9;
	_ =	strace $0x80000048  }
0xb8: {  	_ =	swait.ge [sflag:s29], $0x1  }
0xb9: {  	[sflag:s29] =	ssyncadd.s32 $0xFFFFFFFF  }
0xba: {  	_ =	strace $0x90000048  }
0xbb: {  	_ =	sfence  }
0xbc: {  	s30 =	sld [smem:$0x0];
	_ =	sdelay $0x2  }
0xbd: {  	s31 =	sshll.u32 s1, $0xD;
	s1 =	sshrl.u32 s1, $0x2  }
0xbe: {  	s3 =	sand.u32 $0x4000, s31;
	s1 =	sadd.s32 s1, s30  }
0xbf: {  	s0 =	sor.u32 s3, s0;
	s1 =	sshll.u32 s1, $0x11  }
0xc0: {  	s0 =	sor.u32 s1, s0  }
0xc1: {  	s0 =	sadd.s32 $0x8F2B, s0  }
0xc2: {  	[sflag:s0] =	ssyncadd.remote.s32 $0x1  }
0xc3: {  	_ =	sfence.sel $0xFFFF  }
0xc4: {  	[dreg:$0x0] =	wrdreg $0xFFFFFFFF;
	(pc) =	sbr.abs _section_cstart, $3  }
0xc5: {  	[dreg:$0x1] =	wrdreg $0xFFFFFFFF  }
0xc6: {  	_ =	task.clear_ibuf [dreg:s9], $0x2FFFF;
	_ =	strace $0x9FFFFFFF  }
0xc7: {  	(tm) =	ssettm $0x7FFFFFFF  }
tec
execute0_lowered:
.L_overlay_start_1:
0x0: {  	(tag) =	ssettag $0x1  }
0x1: {  	s0 =	rddreg [dreg:$0x0]  }
0x2: {  	s1 =	rddreg [dreg:$0x1]  }
0x3: {  	s2 =	rddreg [dreg:$0x3]  }
0x4: {  	s4 =	rddreg [dreg:$0x4];
	s6 =	srdreg.scid  }
0x5: {  	s3 =	stileid.u32;
	s5 =	simm.s32 $0x0;
	s23 =	simm.s32 $0x28400  }
0x6: {  	s28 =	simm.s32 $0x0;
	s17 =	sand.u32 $0x1, s6;
	s29 =	smul.u32 $0x4F000, s3  }
0x7: {  	[smem:$0x7FF] =	sst s5;
	s11 =	sshll.u32 s3, $0x7;
	s12 =	ssub.s32 $0x4F1, s3  }
0x8: {  	s22 =	smul.u32 $0x2780, s3;
	s26 =	sshll.u32 s3, $0xB;
	s7 =	ssub.s32 $0x2, s17  }
0x9: {  	_ =	strace $0x80000047;
	s10 =	smul.u32 $0x27100, s17;
	p0 =	seq.s32 s17, $0x1  }
0xa: {  	s25 =	smul.u32 $0x271000, s17;
	s8 =	sshrl.u32 s7, $0x1;
	s6 =	sshrl.u32 s29, $0x2  }
0xb: {  	s23 =	simm.s32 @!p0 $0xC00;
	s18 =	ssub.s32 s7, s8;
	s6 =	sadd.s32 s6, s4  }
0xc: {  	s19 =	sadd.s32 s11, s10;
	s11 =	sshrl.u32 s12, $0x4;
	s2 =	sadd.s32 s23, s2  }
0xd: {  	s7 =	sadd.s32 $0x4000, s6;
	s8 =	sadd.s32 $0x8000, s6;
	s9 =	sadd.s32 $0xC000, s6  }
0xe: {  	s10 =	sadd.s32 $0x10000, s6;
	s30 =	sshll.u32 s19, $0x4;
	s13 =	sshrl.u32 s19, $0x3  }
0xf: {  	s15 =	sadd.s32 $0x800, s19;
	s16 =	smul.u32 $0x56, s11;
	s23 =	sadd.s32 $0xFFFFFFFE, s11  }
0x10: {  	s17 =	smax.u32 s18, $0x1;
	s18 =	sadd.s32 s2, s22;
	s29 =	sadd.s32 $0x1000, s19  }
0x11: {  	s22 =	sadd.s32 $0x1800, s19;
	s12 =	sadd.s32 s0, s30;
	s13 =	sadd.s32 s1, s13  }
0x12: {  	s14 =	sshll.u32 s15, $0x4;
	s15 =	sshrl.u32 s15, $0x3;
	s20 =	sadd.s32 $0xFFFFFFAA, s16  }
0x13: {  	[dreg:$0x6] =	wrdreg s23;
	s30 =	sadd.s32 $0x2000, s19;
	s20 =	sshrl.u32 s20, $0x8  }
0x14: {  	s2 =	sshrl.u32 s29, $0x3;
	s16 =	sadd.s32 $0xAC, s16;
	s20 =	smul.u32 $0x3, s20  }
0x15: {  	s23 =	simm.s32 $0xA;
	s21 =	sshrl.u32 s16, $0x8;
	s16 =	sadd.s32 $0xFFFFFFFF, s11  }
0x16: {  	s14 =	sadd.s32 s0, s14;
	s0 =	sadd.s32 s25, s0;
	s24 =	ssub.s32 s16, s20  }
0x17: {  	s31 =	smul.u32 $0x3, s21;
	s20 =	sadd.s32 s2, s1;
	s2 =	sand.u32 $0xFF, s24  }
0x18: {  	s15 =	sadd.s32 s1, s15;
	s0 =	sadd.s32 s26, s0;
	p0 =	seq.s32 s2, $0x0  }
0x19: {  	[dreg:$0x7] =	wrdreg s31;
	s31 =	sshrl.u32 s30, $0x3;
	p1 =	seq.s32 @!p0 s2, $0x2  }
0x1a: {  	s0 =	sadd.s32 $0x10000, s0;
	s21 =	sadd.s32 s31, s1;
	p1 =	por !p1, p0  }
.LBB2_1:
0x1b: {  	s2 =	rddreg [dreg:$0x2]  }
0x1c: {  	[tilespmem:s5], [sflag:$0xA] =	stream.linear.gather [hbm4b:s2+s5], $0x4000, $0x38;
	[tilespmem:$0x1FD80] =	vst v63  }
0x1d: {  	_ =	swait.ge [sflag:s23], $0x4000  }
0x1e: {  	[sflag:s23] =	ssyncset.done $0x0  }
0x1f: {  	[sflag:s23] =	ssyncadd.s32 $0xFFFFC000  }
0x20: {  	[spmem:s6] =	stream.linear.scatter [tilespmem:s5], [sflag:$0xA], $0x4000, $0x38;
	[tilespmem:$0x1FD80] =	vst v63  }
0x21: {  	_ =	swait.ge [sflag:s23], $0x4000  }
0x22: {  	[sflag:s23] =	ssyncset.done $0x0  }
0x23: {  	[sflag:s23] =	ssyncadd.s32 $0xFFFFC000  }
0x24: {  	[spmem:s7] =	stream.linear.scatter [tilespmem:s5], [sflag:$0xA], $0x4000, $0x38;
	[tilespmem:$0x1FD80] =	vst v63  }
0x25: {  	_ =	swait.ge [sflag:s23], $0x4000  }
0x26: {  	[sflag:s23] =	ssyncset.done $0x0  }
0x27: {  	[sflag:s23] =	ssyncadd.s32 $0xFFFFC000  }
0x28: {  	[spmem:s8] =	stream.linear.scatter [tilespmem:s5], [sflag:$0xA], $0x4000, $0x38;
	[tilespmem:$0x1FD80] =	vst v63  }
0x29: {  	_ =	swait.ge [sflag:s23], $0x4000  }
0x2a: {  	[sflag:s23] =	ssyncset.done $0x0  }
0x2b: {  	[sflag:s23] =	ssyncadd.s32 $0xFFFFC000  }
0x2c: {  	[spmem:s9] =	stream.linear.scatter [tilespmem:s5], [sflag:$0xA], $0x4000, $0x38;
	[tilespmem:$0x1FD80] =	vst v63  }
0x2d: {  	_ =	swait.ge [sflag:s23], $0x4000  }
0x2e: {  	[sflag:s23] =	ssyncset.done $0x0  }
0x2f: {  	[sflag:s23] =	ssyncadd.s32 $0xFFFFC000  }
0x30: {  	[spmem:s10] =	stream.linear.scatter [tilespmem:s5], [sflag:$0xA], $0x3C00, $0x38;
	[tilespmem:$0x1FD80] =	vst v63  }
0x31: {  	_ =	swait.ge [sflag:s23], $0x3C00  }
0x32: {  	[sflag:s23] =	ssyncset.done $0x0  }
0x33: {  	[sflag:s23] =	ssyncadd.s32 $0xFFFFC400  }
0x34: {  	[bflag:$0x0] =	sbarrier.arrive $0xFFFF  }
0x35: {  	[tilespmem:s5], [sflag:$0x1] =	stream.linear.gather [hbm4b:s12+s5], $0x4000, $0x38;
	[tilespmem:$0x1FD80] =	vst v63  }
0x36: {  	s24 =	simm.s32 $0xC000;
	s25 =	simm.s32 $0x4000  }
0x37: {  	[tilespmem:s24], [sflag:$0x4] =	stream.linear.gather [hbm4b:s13+s5], $0x80, $0x38;
	[tilespmem:$0x1FD80] =	vst v63  }
0x38: {  	s26 =	simm.s32 $0xC080;
	s29 =	smov.u32 s22;
	s30 =	smov.u32 s21  }
0x39: {  	[tilespmem:s25], [sflag:$0x2] =	stream.linear.gather [hbm4b:s14+s5], $0x4000, $0x38;
	[tilespmem:$0x1FD80] =	vst v63  }
0x3a: {  	s31 =	smov.u32 s20;
	s19 =	smov.u32 s0;
	s2 =	simm.s32 $0x0  }
0x3b: {  	[tilespmem:s26], [sflag:$0x5] =	stream.linear.gather [hbm4b:s15+s5], $0x80, $0x38;
	[tilespmem:$0x1FD80] =	vst v63  }
.LBB2_2:
0x3c: {  	p2 =	sge.u32 s2, s11  }
0x3d: {  	p3 =	seq.s32 @!p2 s2, $0x0  }
0x3e: {  	p3 =	por p3, p2  }
0x3f: {  	s24 =	sadd.s32 @!p2 $0x2, s2;
	s3 =	simm.s32 @!p3 $0x9  }
0x40: {  	p4 =	sge.u32 @!p2 s24, s11;
	_ =	swait.ge @!p3 [sflag:s3], $0x4000  }
0x41: {  	p4 =	por p4, p2;
	[sflag:s3] =	ssyncset.done @!p3 $0x0  }
0x42: {  	s24 =	simm.s32 @!p4 $0x8000;
	[sflag:s3] =	ssyncadd.s32 @!p3 $0xFFFFC000;
	s3 =	simm.s32 @!p4 $0x0  }
0x43: {  	[tilespmem:s24], [sflag:$0x3] =	stream.linear.gather @!p4 [hbm4b:s19+s3], $0x4000, $0x38;
	[tilespmem:$0x1FD80] =	vst v63  }
0x44: {  	s24 =	simm.s32 @!p4 $0xC100  }
0x45: {  	[tilespmem:s24], [sflag:$0x6] =	stream.linear.gather @!p4 [hbm4b:s31+s3], $0x80, $0x38;
	[tilespmem:$0x1FD80] =	vst v63  }
0x46: {  	s3 =	simm.s32 @!p2 $0x4  }
0x47: {  	_ =	swait.ge @!p2 [sflag:s3], $0x80  }
0x48: {  	[sflag:s3] =	ssyncset.done @!p2 $0x0  }
0x49: {  	[sflag:s3] =	ssyncadd.s32 @!p2 $0xFFFFFF80;
	s3 =	simm.s32 @!p2 $0x1  }
0x4a: {  	_ =	swait.ge @!p2 [sflag:s3], $0x4000  }
0x4b: {  	s25 =	simm.s32 @!p2 $0x0;
	[sflag:s3] =	ssyncset.done @!p2 $0x0  }
0x4c: {  	s24 =	simm.s32 @!p2 $0xC000;
	[sflag:s3] =	ssyncadd.s32 @!p2 $0xFFFFC000;
	s3 =	simm.s32 @!p2 $0x80  }
0x4d: {  	[spmem:s4] =	stream.indirect.scatter.add.f32 @!p2 [tilespmem:s25], [sflag:$0x7], $0x80, s24, s3, $0xb8;
	[tilespmem:$0x1FD80] =	vst v63  }
0x4e: {  	p2 =	sge.u32 s2, s16  }
0x4f: {  	s3 =	simm.s32 @!p2 $0x7;
	s24 =	sadd.s32 @!p2 $0x3, s2  }
0x50: {  	_ =	swait.ge @!p2 [sflag:s3], $0x4000;
	p3 =	sge.u32 @!p2 s24, s11  }
0x51: {  	[sflag:s3] =	ssyncset.done @!p2 $0x0;
	p3 =	por p3, p2  }
0x52: {  	[sflag:s3] =	ssyncadd.s32 @!p2 $0xFFFFC000;
	s3 =	sadd.s32 @!p3 $0x8000, s19;
	s24 =	simm.s32 @!p3 $0x0  }
0x53: {  	[tilespmem:s24], [sflag:$0x1] =	stream.linear.gather @!p3 [hbm4b:s3+s24], $0x4000, $0x38;
	[tilespmem:$0x1FD80] =	vst v63  }
0x54: {  	s3 =	sshrl.u32 @!p3 s29, $0x3  }
0x55: {  	s25 =	simm.s32 @!p3 $0xC000;
	s3 =	sadd.s32 @!p3 s1, s3  }
0x56: {  	[tilespmem:s25], [sflag:$0x4] =	stream.linear.gather @!p3 [hbm4b:s3+s24], $0x80, $0x38;
	[tilespmem:$0x1FD80] =	vst v63  }
0x57: {  	s3 =	simm.s32 @!p2 $0x5  }
0x58: {  	_ =	swait.ge @!p2 [sflag:s3], $0x80  }
0x59: {  	[sflag:s3] =	ssyncset.done @!p2 $0x0  }
0x5a: {  	[sflag:s3] =	ssyncadd.s32 @!p2 $0xFFFFFF80;
	s3 =	simm.s32 @!p2 $0x2  }
0x5b: {  	_ =	swait.ge @!p2 [sflag:s3], $0x4000  }
0x5c: {  	s26 =	simm.s32 @!p2 $0x4000;
	s24 =	simm.s32 @!p2 $0x80;
	[sflag:s3] =	ssyncset.done @!p2 $0x0  }
0x5d: {  	s25 =	simm.s32 @!p2 $0xC080;
	[sflag:s3] =	ssyncadd.s32 @!p2 $0xFFFFC000;
	s3 =	rddreg [dreg:$0x6]  }
0x5e: {  	[spmem:s4] =	stream.indirect.scatter.add.f32 @!p2 [tilespmem:s26], [sflag:$0x8], $0x80, s25, s24, $0xb8;
	[tilespmem:$0x1FD80] =	vst v63  }
0x5f: {  	p2 =	sge.u32 s2, s3  }
0x60: {  	s3 =	simm.s32 @!p2 $0x8  }
0x61: {  	s24 =	sadd.s32 @!p2 $0x4, s2;
	_ =	swait.ge @!p2 [sflag:s3], $0x4000  }
0x62: {  	p3 =	sge.u32 @!p2 s24, s11;
	[sflag:s3] =	ssyncset.done @!p2 $0x0  }
0x63: {  	p3 =	por p3, p2;
	[sflag:s3] =	ssyncadd.s32 @!p2 $0xFFFFC000  }
0x64: {  	s3 =	sadd.s32 @!p3 $0x10000, s19;
	s24 =	simm.s32 @!p3 $0x0;
	s25 =	simm.s32 @!p3 $0x4000  }
0x65: {  	[tilespmem:s25], [sflag:$0x2] =	stream.linear.gather @!p3 [hbm4b:s3+s24], $0x4000, $0x38;
	[tilespmem:$0x1FD80] =	vst v63  }
0x66: {  	s3 =	simm.s32 @!p3 $0xC080  }
0x67: {  	[tilespmem:s3], [sflag:$0x5] =	stream.linear.gather @!p3 [hbm4b:s30+s24], $0x80, $0x38;
	[tilespmem:$0x1FD80] =	vst v63  }
0x68: {  	s3 =	simm.s32 @!p2 $0x6  }
0x69: {  	_ =	swait.ge @!p2 [sflag:s3], $0x80  }
0x6a: {  	[sflag:s3] =	ssyncset.done @!p2 $0x0  }
0x6b: {  	[sflag:s3] =	ssyncadd.s32 @!p2 $0xFFFFFF80;
	s3 =	simm.s32 @!p2 $0x3  }
0x6c: {  	s2 =	sadd.s32 $0x3, s2;
	_ =	swait.ge @!p2 [sflag:s3], $0x4000  }
0x6d: {  	s25 =	simm.s32 @!p2 $0x8000;
	s24 =	simm.s32 @!p2 $0xC100;
	[sflag:s3] =	ssyncset.done @!p2 $0x0  }
0x6e: {  	s26 =	rddreg [dreg:$0x7];
	[sflag:s3] =	ssyncadd.s32 @!p2 $0xFFFFC000;
	s3 =	simm.s32 @!p2 $0x80  }
0x6f: {  	[spmem:s4] =	stream.indirect.scatter.add.f32 @!p2 [tilespmem:s25], [sflag:$0x9], $0x80, s24, s3, $0xb8;
	[tilespmem:$0x1FD80] =	vst v63  }
0x70: {  	p2 =	sne.s32 s26, s2  }
.Ltmp0:
0x71: {  	_ = 	snop;
	(pc) =	sbr.rel @p2 .LBB2_2-.Ltmp0, $3  }
0x72: {  	_ =	sdelay $0x1  }
0x73: {  	s31 =	sadd.s32 $0x300, s31  }
0x74: {  	s29 =	sadd.s32 $0x1800, s29;
	s19 =	sadd.s32 $0x18000, s19;
	s30 =	sadd.s32 $0x300, s30  }
0x75: {  	s2 =	simm.s32 @!p1 $0x9  }
0x76: {  	s2 =	simm.s32 @p1 $0x8  }
0x77: {  	s2 =	simm.s32 @p0 $0x7  }
0x78: {  	s31 =	stileid.u32;
	_ =	swait.ge [sflag:s2], $0x4000  }
0x79: {  	s3 =	sshrl.u32 s6, $0x3;
	s28 =	sadd.s32 $0x1, s28;
	[sflag:s2] =	ssyncset.done $0x0  }
0x7a: {  	p2 =	sne.s32 s28, s17;
	[sflag:s2] =	ssyncadd.s32 $0xFFFFC000;
	s2 =	sshll.u32 s31, $0x6  }
.Ltmp1:
0x7b: {  	[bflag:$0x0] =	sbarrier.arrive $0xFFFF;
	s2 =	sor.u32 $0x1C0A, s2;
	(pc) =	sbr.rel @p2 .LBB2_1-.Ltmp1, $4  }
0x7c: {  	[hbm:s18], [sflag:s2] =	dma.local [spmem:s3], $0x2780  }
0x7d: {  	_ =	swait.ge [sflag:s23], $0x2780  }
0x7e: {  	[sflag:s23] =	ssyncset.done $0x0  }
0x7f: {  	[sflag:s23] =	ssyncadd.s32 $0xFFFFD880  }
0x80: {  	_ =	sfence.sel $0x180000  }
0x81: {  	[bflag:$0x0] =	sbarrier.arrive $0xFFFF  }
0x82: {  	_ =	strace $0x90000047  }
0x83: {  	s0 =	stileid.u32;
	[bflag:$0x2] =	sbarrier.arrive $0xFFFF  }
0x84: {  	p0 =	sne.s32 s0, $0x0;
	s0 =	rddreg [dreg:$0x5]  }
0x85: {  	s0 =	sadd.s32 @!p0 $0x100000, s0  }
0x86: {  	[sflag:s0] =	ssyncadd.tile.s32 @!p0 $0x1;
	_ =	shalt  }
.Lfunc_end2:
_tile_overlayer_lowered:
.L_overlay_start_2:
0x87: {  	(tag) =	ssettag $0x2  }
0x88: {  	s0 =	rddreg [dreg:$0x0];
	s2 =	stileid.u32  }
0x89: {  	s1 =	rddreg [dreg:$0x1];
	p0 =	sne.s32 s2, $0x0  }
0x8a: {  	s3 =	rddreg [dreg:$0x2];
	[bflag:$0x3] =	sbarrier.arrive $0xFFFF;
	s2 =	simm.s32 @!p0 $0x1C0A  }
0x8b: {  	[timem:s3], [sflag:s2] =	dma.local @!p0 [hbm:s0], s1  }
0x8c: {  	s0 =	simm.s32 @!p0 $0xA  }
0x8d: {  	_ =	swait.ge @!p0 [sflag:s0], s1  }
0x8e: {  	s1 =	ssub.s32 @!p0 $0x0, s1;
	[sflag:s0] =	ssyncset.done @!p0 $0x0  }
0x8f: {  	[sflag:s0] =	ssyncadd.s32 @!p0 s1  }
0x90: {  	[bflag:$0x3] =	sbarrier.arrive $0xFFFF  }
0x91: {  	_ =	shalt  }

</sc_bundles>
